<compile_context>
chip_gen: v7x
topology: tpu7x:2x2x1
jax: 0.10.2.dev20260603
libtpu: 0.0.44.dev20260713+nightly
codegen_flags: <defaults>
</compile_context>

<pallas_src>
import functools

import jax
import jax.numpy as jnp
from jax import lax
from jax.experimental import pallas as pl
from jax.experimental.pallas import tpu as pltpu
from jax.experimental.pallas import tpu_sc as plsc

D_MODEL = 128
NUM_WORKERS = 32
CHUNK = 64
NBUF = 10
GA = 5


def _sc_gather(idx_flat, table, n_total, n_rows):
    n_per_w = n_total // NUM_WORKERS
    steps = n_per_w // CHUNK
    n_grps = steps // NBUF
    mesh = plsc.VectorSubcoreMesh(core_axis_name="c", subcore_axis_name="s")

    @functools.partial(
        pl.kernel,
        mesh=mesh,
        out_type=jax.ShapeDtypeStruct((n_total, D_MODEL), jnp.float32),
        scratch_types=[
            pltpu.VMEM((n_per_w,), jnp.int32),
            pltpu.VMEM_SHARED((n_rows, D_MODEL), jnp.float32),
            [pltpu.VMEM((CHUNK, D_MODEL), jnp.float32)] * NBUF,
            [pltpu.SemaphoreType.DMA] * NBUF,
            [pltpu.SemaphoreType.DMA] * NBUF,
        ],
    )
    def k(idx_hbm, table_hbm, out_hbm, idx_v, table_v, rows, gsem, wsem):
        sid = lax.axis_index("s")
        wid = sid * 2 + lax.axis_index("c")
        base = wid * n_per_w
        pltpu.sync_copy(idx_hbm.at[pl.ds(base, n_per_w)], idx_v)

        @pl.when(sid == 0)
        def _():
            pltpu.sync_copy(table_hbm, table_v)

        plsc.subcore_barrier()

        def gather(i, b):
            return pltpu.make_async_copy(
                table_v.at[idx_v.at[pl.ds(i * CHUNK, CHUNK)]], rows[b], gsem[b]
            )

        def write(i, b):
            return pltpu.make_async_copy(
                rows[b], out_hbm.at[pl.ds(base + i * CHUNK, CHUNK)], wsem[b]
            )

        for b in range(GA):
            gather(b, b).start()

        for bb in range(NBUF):
            gather(bb, bb).wait()
            write(bb, bb).start()
            if bb + GA < NBUF:
                gather(bb + GA, bb + GA).start()
            else:
                write(bb + GA - NBUF, (bb + GA) % NBUF).wait()
                gather(bb + GA, (bb + GA) % NBUF).start()

        def body(grp, carry):
            for bb in range(NBUF):
                i = grp * NBUF + bb
                gather(i, bb).wait()
                write(i, bb).start()
                write(i - GA, (bb + GA) % NBUF).wait()
                gather(i + GA, (bb + GA) % NBUF).start()
            return carry

        lax.fori_loop(1, n_grps - 1, body, 0)

        for bb in range(NBUF):
            i = (n_grps - 1) * NBUF + bb
            gather(i, bb).wait()
            write(i, bb).start()
            if bb < GA:
                write(i - GA, (bb + GA) % NBUF).wait()
                gather(i + GA, (bb + GA) % NBUF).start()
        for bb in range(NBUF):
            write((n_grps - 1) * NBUF + bb, bb).wait()

    return k(idx_flat, table)


def kernel(cumulative_positions, position_embeddings):
    b, s = cumulative_positions.shape
    n_total = b * s
    n_rows = position_embeddings.shape[0]
    idx_flat = cumulative_positions.reshape(n_total).astype(jnp.int32)
    out = _sc_gather(idx_flat, position_embeddings, n_total, n_rows)
    return out.reshape(b, s, D_MODEL)

# --- scband reference (transcript-rebuilt; emitter-appended) ---
"""Pipeline reference for scband-temporal-positional-embedding-36567351558754 (READ-ONLY COPY).

The authoritative reference and input builder live on the scoring server;
editing this copy changes nothing except your own understanding.
"""

import jax, jax.numpy as jnp
import numpy as np

D_MODEL = 128
MAX_POSITION = 50

def setup_inputs(seed: int = 0) -> dict:
    key = jax.random.key(seed)
    k1, k2 = jax.random.split(key)
    cumulative_positions = jax.random.randint(k1, (4096, 200), 0, MAX_POSITION + 1, dtype=jnp.int64 if jax.config.jax_enable_x64 else jnp.int32)
    # nn.Embedding default init: N(0, 1)
    position_embeddings = jax.random.normal(k2, (MAX_POSITION + 1, D_MODEL), dtype=jnp.float32)
    return {"cumulative_positions": cumulative_positions, "position_embeddings": position_embeddings}

def reference(cumulative_positions, position_embeddings):
    # Faithful to torch: embeddings = self.position_embeddings(cumulative_positions)
    embeddings = jnp.take(position_embeddings, cumulative_positions, axis=0)
    return embeddings

if __name__ == "__main__":
    import jax
    _d = setup_inputs()
    print(jax.jit(kernel)(*tuple(_d.values())))

</pallas_src>

<mosaic_0001>
#map = affine_map<(d0, d1) -> (0)>
#map1 = affine_map<(d0, d1) -> (0, 0)>
module attributes {stable_mosaic.version = 14 : i64} {
  func.func @k(%arg0: i32, %arg1: i32, %arg2: memref<819200xi32, #tpu.memory_space<hbm>>, %arg3: memref<51x128xf32, #tpu.memory_space<hbm>>, %arg4: memref<819200x128xf32, #tpu.memory_space<hbm>>, %arg5: memref<25600xi32, #tpu.memory_space<vmem>>, %arg6: memref<51x128xf32, #tpu.memory_space<vmem_shared>>, %arg7: memref<64x128xf32, #tpu.memory_space<vmem>>, %arg8: memref<64x128xf32, #tpu.memory_space<vmem>>, %arg9: memref<64x128xf32, #tpu.memory_space<vmem>>, %arg10: memref<64x128xf32, #tpu.memory_space<vmem>>, %arg11: memref<64x128xf32, #tpu.memory_space<vmem>>, %arg12: memref<64x128xf32, #tpu.memory_space<vmem>>, %arg13: memref<64x128xf32, #tpu.memory_space<vmem>>, %arg14: memref<64x128xf32, #tpu.memory_space<vmem>>, %arg15: memref<64x128xf32, #tpu.memory_space<vmem>>, %arg16: memref<64x128xf32, #tpu.memory_space<vmem>>, %arg17: memref<!tpu.dma_semaphore, #tpu.memory_space<semaphore_mem>>, %arg18: memref<!tpu.dma_semaphore, #tpu.memory_space<semaphore_mem>>, %arg19: memref<!tpu.dma_semaphore, #tpu.memory_space<semaphore_mem>>, %arg20: memref<!tpu.dma_semaphore, #tpu.memory_space<semaphore_mem>>, %arg21: memref<!tpu.dma_semaphore, #tpu.memory_space<semaphore_mem>>, %arg22: memref<!tpu.dma_semaphore, #tpu.memory_space<semaphore_mem>>, %arg23: memref<!tpu.dma_semaphore, #tpu.memory_space<semaphore_mem>>, %arg24: memref<!tpu.dma_semaphore, #tpu.memory_space<semaphore_mem>>, %arg25: memref<!tpu.dma_semaphore, #tpu.memory_space<semaphore_mem>>, %arg26: memref<!tpu.dma_semaphore, #tpu.memory_space<semaphore_mem>>, %arg27: memref<!tpu.dma_semaphore, #tpu.memory_space<semaphore_mem>>, %arg28: memref<!tpu.dma_semaphore, #tpu.memory_space<semaphore_mem>>, %arg29: memref<!tpu.dma_semaphore, #tpu.memory_space<semaphore_mem>>, %arg30: memref<!tpu.dma_semaphore, #tpu.memory_space<semaphore_mem>>, %arg31: memref<!tpu.dma_semaphore, #tpu.memory_space<semaphore_mem>>, %arg32: memref<!tpu.dma_semaphore, #tpu.memory_space<semaphore_mem>>, %arg33: memref<!tpu.dma_semaphore, #tpu.memory_space<semaphore_mem>>, %arg34: memref<!tpu.dma_semaphore, #tpu.memory_space<semaphore_mem>>, %arg35: memref<!tpu.dma_semaphore, #tpu.memory_space<semaphore_mem>>, %arg36: memref<!tpu.dma_semaphore, #tpu.memory_space<semaphore_mem>>) attributes {dimension_semantics = [#tpu.dimension_semantics<core_parallel>, #tpu.dimension_semantics<subcore_parallel>], iteration_bounds = array<i64: 2, 16>, scalar_prefetch = 0 : i64, scratch_operands = 32 : i64, tpu.core_type = #tpu.core_type<sc_vector_subcore>, window_params = [{transform_indices = #map}, {transform_indices = #map1}, {transform_indices = #map1}]} {
    %mul3A = arith.constant 2 : i32
    %mul3A_0 = arith.muli %arg1, %mul3A : i32
    %add3A = arith.addi %mul3A_0, %arg0 : i32
    %mul3A_1 = arith.constant 25600 : i32
    %mul3A_2 = arith.muli %add3A, %mul3A_1 : i32
    "tpu.region"() ({
      %run_scoped3A = tpu.sem_alloc : memref<!tpu.dma_semaphore, #tpu.memory_space<semaphore_mem>>
      %dma_start3A_448 = tpu.memref_slice %arg2[%mul3A_2] : memref<819200xi32, #tpu.memory_space<hbm>> -> memref<25600xi32, #tpu.memory_space<hbm>>
      %dma_start3A_449 = tpu.memref_slice %arg2[%mul3A_2] : memref<819200xi32, #tpu.memory_space<hbm>> -> memref<25600xi32, #tpu.memory_space<hbm>>
      tpu.enqueue_dma source(%dma_start3A_449 : memref<25600xi32, #tpu.memory_space<hbm>>) target(%arg5 : memref<25600xi32, #tpu.memory_space<vmem>>) target_semaphore(%run_scoped3A : memref<!tpu.dma_semaphore, #tpu.memory_space<semaphore_mem>>)
      %dma_wait3A_450 = tpu.memref_slice %arg2[%mul3A_2] : memref<819200xi32, #tpu.memory_space<hbm>> -> memref<25600xi32, #tpu.memory_space<hbm>>
      %dma_wait3A_451 = tpu.memref_slice %arg2[%mul3A_2] : memref<819200xi32, #tpu.memory_space<hbm>> -> memref<25600xi32, #tpu.memory_space<hbm>>
      tpu.wait_dma2 semaphore(%run_scoped3A : memref<!tpu.dma_semaphore, #tpu.memory_space<semaphore_mem>>) src(%dma_wait3A_451 : memref<25600xi32, #tpu.memory_space<hbm>>) dst(%arg5 : memref<25600xi32, #tpu.memory_space<vmem>>)
      tpu.yield
    }) : () -> ()
    %eq3A = arith.constant 0 : i32
    %eq3A_3 = arith.cmpi eq, %arg1, %eq3A : i32
    %convert_element_type3A = arith.extui %eq3A_3 : i1 to i32
    %cond3A = arith.constant 0 : i32
    %cond3A_4 = arith.cmpi ne, %convert_element_type3A, %cond3A : i32
    scf.if %cond3A_4 {
      "tpu.region"() ({
        %run_scoped3A = tpu.sem_alloc : memref<!tpu.dma_semaphore, #tpu.memory_space<semaphore_mem>>
        tpu.enqueue_dma source(%arg3 : memref<51x128xf32, #tpu.memory_space<hbm>>) target(%arg6 : memref<51x128xf32, #tpu.memory_space<vmem_shared>>) target_semaphore(%run_scoped3A : memref<!tpu.dma_semaphore, #tpu.memory_space<semaphore_mem>>)
        tpu.wait_dma2 semaphore(%run_scoped3A : memref<!tpu.dma_semaphore, #tpu.memory_space<semaphore_mem>>) src(%arg3 : memref<51x128xf32, #tpu.memory_space<hbm>>) dst(%arg6 : memref<51x128xf32, #tpu.memory_space<vmem_shared>>)
        tpu.yield
      }) : () -> ()
    } else {
    }
    %barrier3A = arith.constant 0 : index
    tpu.barrier barrier_id(%barrier3A)
    %dma_start3A = arith.constant 0 : i32
    %dma_start3A_5 = tpu.memref_slice %arg5[%dma_start3A] : memref<25600xi32, #tpu.memory_space<vmem>> -> memref<64xi32, #tpu.memory_space<vmem>>
    %dma_start3A_6 = arith.constant 0 : i32
    %dma_start3A_7 = arith.constant 0 : i32
    %dma_start3A_8 = tpu.memref_slice %arg6[%dma_start3A_6, %dma_start3A_7] : memref<51x128xf32, #tpu.memory_space<vmem_shared>> -> memref<51x128xf32, #tpu.memory_space<vmem_shared>>
    tpu.enqueue_indirect_dma source(%dma_start3A_8 : memref<51x128xf32, #tpu.memory_space<vmem_shared>>) target(%arg7 : memref<64x128xf32, #tpu.memory_space<vmem>>) offsets(%dma_start3A_5 : memref<64xi32, #tpu.memory_space<vmem>>) semaphore(%arg17 : memref<!tpu.dma_semaphore, #tpu.memory_space<semaphore_mem>>)
    %dma_start3A_9 = arith.constant 64 : i32
    %dma_start3A_10 = tpu.memref_slice %arg5[%dma_start3A_9] : memref<25600xi32, #tpu.memory_space<vmem>> -> memref<64xi32, #tpu.memory_space<vmem>>
    %dma_start3A_11 = arith.constant 0 : i32
    %dma_start3A_12 = arith.constant 0 : i32
    %dma_start3A_13 = tpu.memref_slice %arg6[%dma_start3A_11, %dma_start3A_12] : memref<51x128xf32, #tpu.memory_space<vmem_shared>> -> memref<51x128xf32, #tpu.memory_space<vmem_shared>>
    tpu.enqueue_indirect_dma source(%dma_start3A_13 : memref<51x128xf32, #tpu.memory_space<vmem_shared>>) target(%arg8 : memref<64x128xf32, #tpu.memory_space<vmem>>) offsets(%dma_start3A_10 : memref<64xi32, #tpu.memory_space<vmem>>) semaphore(%arg18 : memref<!tpu.dma_semaphore, #tpu.memory_space<semaphore_mem>>)
    %dma_start3A_14 = arith.constant 128 : i32
    %dma_start3A_15 = tpu.memref_slice %arg5[%dma_start3A_14] : memref<25600xi32, #tpu.memory_space<vmem>> -> memref<64xi32, #tpu.memory_space<vmem>>
    %dma_start3A_16 = arith.constant 0 : i32
    %dma_start3A_17 = arith.constant 0 : i32
    %dma_start3A_18 = tpu.memref_slice %arg6[%dma_start3A_16, %dma_start3A_17] : memref<51x128xf32, #tpu.memory_space<vmem_shared>> -> memref<51x128xf32, #tpu.memory_space<vmem_shared>>
    tpu.enqueue_indirect_dma source(%dma_start3A_18 : memref<51x128xf32, #tpu.memory_space<vmem_shared>>) target(%arg9 : memref<64x128xf32, #tpu.memory_space<vmem>>) offsets(%dma_start3A_15 : memref<64xi32, #tpu.memory_space<vmem>>) semaphore(%arg19 : memref<!tpu.dma_semaphore, #tpu.memory_space<semaphore_mem>>)
    %dma_start3A_19 = arith.constant 192 : i32
    %dma_start3A_20 = tpu.memref_slice %arg5[%dma_start3A_19] : memref<25600xi32, #tpu.memory_space<vmem>> -> memref<64xi32, #tpu.memory_space<vmem>>
    %dma_start3A_21 = arith.constant 0 : i32
    %dma_start3A_22 = arith.constant 0 : i32
    %dma_start3A_23 = tpu.memref_slice %arg6[%dma_start3A_21, %dma_start3A_22] : memref<51x128xf32, #tpu.memory_space<vmem_shared>> -> memref<51x128xf32, #tpu.memory_space<vmem_shared>>
    tpu.enqueue_indirect_dma source(%dma_start3A_23 : memref<51x128xf32, #tpu.memory_space<vmem_shared>>) target(%arg10 : memref<64x128xf32, #tpu.memory_space<vmem>>) offsets(%dma_start3A_20 : memref<64xi32, #tpu.memory_space<vmem>>) semaphore(%arg20 : memref<!tpu.dma_semaphore, #tpu.memory_space<semaphore_mem>>)
    %dma_start3A_24 = arith.constant 256 : i32
    %dma_start3A_25 = tpu.memref_slice %arg5[%dma_start3A_24] : memref<25600xi32, #tpu.memory_space<vmem>> -> memref<64xi32, #tpu.memory_space<vmem>>
    %dma_start3A_26 = arith.constant 0 : i32
    %dma_start3A_27 = arith.constant 0 : i32
    %dma_start3A_28 = tpu.memref_slice %arg6[%dma_start3A_26, %dma_start3A_27] : memref<51x128xf32, #tpu.memory_space<vmem_shared>> -> memref<51x128xf32, #tpu.memory_space<vmem_shared>>
    tpu.enqueue_indirect_dma source(%dma_start3A_28 : memref<51x128xf32, #tpu.memory_space<vmem_shared>>) target(%arg11 : memref<64x128xf32, #tpu.memory_space<vmem>>) offsets(%dma_start3A_25 : memref<64xi32, #tpu.memory_space<vmem>>) semaphore(%arg21 : memref<!tpu.dma_semaphore, #tpu.memory_space<semaphore_mem>>)
    %dma_wait3A = arith.constant 0 : i32
    %dma_wait3A_29 = tpu.memref_slice %arg5[%dma_wait3A] : memref<25600xi32, #tpu.memory_space<vmem>> -> memref<64xi32, #tpu.memory_space<vmem>>
    %dma_wait3A_30 = arith.constant 0 : i32
    %dma_wait3A_31 = arith.constant 0 : i32
    %dma_wait3A_32 = tpu.memref_slice %arg6[%dma_wait3A_30, %dma_wait3A_31] : memref<51x128xf32, #tpu.memory_space<vmem_shared>> -> memref<51x128xf32, #tpu.memory_space<vmem_shared>>
    tpu.wait_indirect_dma semaphore(%arg17 : memref<!tpu.dma_semaphore, #tpu.memory_space<semaphore_mem>>) src(%dma_wait3A_32 : memref<51x128xf32, #tpu.memory_space<vmem_shared>>) dst(%arg7 : memref<64x128xf32, #tpu.memory_space<vmem>>)
    %add3A_33 = arith.constant 0 : i32
    %add3A_34 = arith.addi %mul3A_2, %add3A_33 : i32
    %dma_start3A_35 = arith.constant 0 : i32
    %dma_start3A_36 = tpu.memref_slice %arg4[%add3A_34, %dma_start3A_35] : memref<819200x128xf32, #tpu.memory_space<hbm>> -> memref<64x128xf32, #tpu.memory_space<hbm>>
    %dma_start3A_37 = arith.constant 0 : i32
    %dma_start3A_38 = tpu.memref_slice %arg4[%add3A_34, %dma_start3A_37] : memref<819200x128xf32, #tpu.memory_space<hbm>> -> memref<64x128xf32, #tpu.memory_space<hbm>>
    tpu.enqueue_dma source(%arg7 : memref<64x128xf32, #tpu.memory_space<vmem>>) target(%dma_start3A_38 : memref<64x128xf32, #tpu.memory_space<hbm>>) target_semaphore(%arg27 : memref<!tpu.dma_semaphore, #tpu.memory_space<semaphore_mem>>)
    %dma_start3A_39 = arith.constant 320 : i32
    %dma_start3A_40 = tpu.memref_slice %arg5[%dma_start3A_39] : memref<25600xi32, #tpu.memory_space<vmem>> -> memref<64xi32, #tpu.memory_space<vmem>>
    %dma_start3A_41 = arith.constant 0 : i32
    %dma_start3A_42 = arith.constant 0 : i32
    %dma_start3A_43 = tpu.memref_slice %arg6[%dma_start3A_41, %dma_start3A_42] : memref<51x128xf32, #tpu.memory_space<vmem_shared>> -> memref<51x128xf32, #tpu.memory_space<vmem_shared>>
    tpu.enqueue_indirect_dma source(%dma_start3A_43 : memref<51x128xf32, #tpu.memory_space<vmem_shared>>) target(%arg12 : memref<64x128xf32, #tpu.memory_space<vmem>>) offsets(%dma_start3A_40 : memref<64xi32, #tpu.memory_space<vmem>>) semaphore(%arg22 : memref<!tpu.dma_semaphore, #tpu.memory_space<semaphore_mem>>)
    %dma_wait3A_44 = arith.constant 64 : i32
    %dma_wait3A_45 = tpu.memref_slice %arg5[%dma_wait3A_44] : memref<25600xi32, #tpu.memory_space<vmem>> -> memref<64xi32, #tpu.memory_space<vmem>>
    %dma_wait3A_46 = arith.constant 0 : i32
    %dma_wait3A_47 = arith.constant 0 : i32
    %dma_wait3A_48 = tpu.memref_slice %arg6[%dma_wait3A_46, %dma_wait3A_47] : memref<51x128xf32, #tpu.memory_space<vmem_shared>> -> memref<51x128xf32, #tpu.memory_space<vmem_shared>>
    tpu.wait_indirect_dma semaphore(%arg18 : memref<!tpu.dma_semaphore, #tpu.memory_space<semaphore_mem>>) src(%dma_wait3A_48 : memref<51x128xf32, #tpu.memory_space<vmem_shared>>) dst(%arg8 : memref<64x128xf32, #tpu.memory_space<vmem>>)
    %add3A_49 = arith.constant 64 : i32
    %add3A_50 = arith.addi %mul3A_2, %add3A_49 : i32
    %dma_start3A_51 = arith.constant 0 : i32
    %dma_start3A_52 = tpu.memref_slice %arg4[%add3A_50, %dma_start3A_51] : memref<819200x128xf32, #tpu.memory_space<hbm>> -> memref<64x128xf32, #tpu.memory_space<hbm>>
    %dma_start3A_53 = arith.constant 0 : i32
    %dma_start3A_54 = tpu.memref_slice %arg4[%add3A_50, %dma_start3A_53] : memref<819200x128xf32, #tpu.memory_space<hbm>> -> memref<64x128xf32, #tpu.memory_space<hbm>>
    tpu.enqueue_dma source(%arg8 : memref<64x128xf32, #tpu.memory_space<vmem>>) target(%dma_start3A_54 : memref<64x128xf32, #tpu.memory_space<hbm>>) target_semaphore(%arg28 : memref<!tpu.dma_semaphore, #tpu.memory_space<semaphore_mem>>)
    %dma_start3A_55 = arith.constant 384 : i32
    %dma_start3A_56 = tpu.memref_slice %arg5[%dma_start3A_55] : memref<25600xi32, #tpu.memory_space<vmem>> -> memref<64xi32, #tpu.memory_space<vmem>>
    %dma_start3A_57 = arith.constant 0 : i32
    %dma_start3A_58 = arith.constant 0 : i32
    %dma_start3A_59 = tpu.memref_slice %arg6[%dma_start3A_57, %dma_start3A_58] : memref<51x128xf32, #tpu.memory_space<vmem_shared>> -> memref<51x128xf32, #tpu.memory_space<vmem_shared>>
    tpu.enqueue_indirect_dma source(%dma_start3A_59 : memref<51x128xf32, #tpu.memory_space<vmem_shared>>) target(%arg13 : memref<64x128xf32, #tpu.memory_space<vmem>>) offsets(%dma_start3A_56 : memref<64xi32, #tpu.memory_space<vmem>>) semaphore(%arg23 : memref<!tpu.dma_semaphore, #tpu.memory_space<semaphore_mem>>)
    %dma_wait3A_60 = arith.constant 128 : i32
    %dma_wait3A_61 = tpu.memref_slice %arg5[%dma_wait3A_60] : memref<25600xi32, #tpu.memory_space<vmem>> -> memref<64xi32, #tpu.memory_space<vmem>>
    %dma_wait3A_62 = arith.constant 0 : i32
    %dma_wait3A_63 = arith.constant 0 : i32
    %dma_wait3A_64 = tpu.memref_slice %arg6[%dma_wait3A_62, %dma_wait3A_63] : memref<51x128xf32, #tpu.memory_space<vmem_shared>> -> memref<51x128xf32, #tpu.memory_space<vmem_shared>>
    tpu.wait_indirect_dma semaphore(%arg19 : memref<!tpu.dma_semaphore, #tpu.memory_space<semaphore_mem>>) src(%dma_wait3A_64 : memref<51x128xf32, #tpu.memory_space<vmem_shared>>) dst(%arg9 : memref<64x128xf32, #tpu.memory_space<vmem>>)
    %add3A_65 = arith.constant 128 : i32
    %add3A_66 = arith.addi %mul3A_2, %add3A_65 : i32
    %dma_start3A_67 = arith.constant 0 : i32
    %dma_start3A_68 = tpu.memref_slice %arg4[%add3A_66, %dma_start3A_67] : memref<819200x128xf32, #tpu.memory_space<hbm>> -> memref<64x128xf32, #tpu.memory_space<hbm>>
    %dma_start3A_69 = arith.constant 0 : i32
    %dma_start3A_70 = tpu.memref_slice %arg4[%add3A_66, %dma_start3A_69] : memref<819200x128xf32, #tpu.memory_space<hbm>> -> memref<64x128xf32, #tpu.memory_space<hbm>>
    tpu.enqueue_dma source(%arg9 : memref<64x128xf32, #tpu.memory_space<vmem>>) target(%dma_start3A_70 : memref<64x128xf32, #tpu.memory_space<hbm>>) target_semaphore(%arg29 : memref<!tpu.dma_semaphore, #tpu.memory_space<semaphore_mem>>)
    %dma_start3A_71 = arith.constant 448 : i32
    %dma_start3A_72 = tpu.memref_slice %arg5[%dma_start3A_71] : memref<25600xi32, #tpu.memory_space<vmem>> -> memref<64xi32, #tpu.memory_space<vmem>>
    %dma_start3A_73 = arith.constant 0 : i32
    %dma_start3A_74 = arith.constant 0 : i32
    %dma_start3A_75 = tpu.memref_slice %arg6[%dma_start3A_73, %dma_start3A_74] : memref<51x128xf32, #tpu.memory_space<vmem_shared>> -> memref<51x128xf32, #tpu.memory_space<vmem_shared>>
    tpu.enqueue_indirect_dma source(%dma_start3A_75 : memref<51x128xf32, #tpu.memory_space<vmem_shared>>) target(%arg14 : memref<64x128xf32, #tpu.memory_space<vmem>>) offsets(%dma_start3A_72 : memref<64xi32, #tpu.memory_space<vmem>>) semaphore(%arg24 : memref<!tpu.dma_semaphore, #tpu.memory_space<semaphore_mem>>)
    %dma_wait3A_76 = arith.constant 192 : i32
    %dma_wait3A_77 = tpu.memref_slice %arg5[%dma_wait3A_76] : memref<25600xi32, #tpu.memory_space<vmem>> -> memref<64xi32, #tpu.memory_space<vmem>>
    %dma_wait3A_78 = arith.constant 0 : i32
    %dma_wait3A_79 = arith.constant 0 : i32
    %dma_wait3A_80 = tpu.memref_slice %arg6[%dma_wait3A_78, %dma_wait3A_79] : memref<51x128xf32, #tpu.memory_space<vmem_shared>> -> memref<51x128xf32, #tpu.memory_space<vmem_shared>>
    tpu.wait_indirect_dma semaphore(%arg20 : memref<!tpu.dma_semaphore, #tpu.memory_space<semaphore_mem>>) src(%dma_wait3A_80 : memref<51x128xf32, #tpu.memory_space<vmem_shared>>) dst(%arg10 : memref<64x128xf32, #tpu.memory_space<vmem>>)
    %add3A_81 = arith.constant 192 : i32
    %add3A_82 = arith.addi %mul3A_2, %add3A_81 : i32
    %dma_start3A_83 = arith.constant 0 : i32
    %dma_start3A_84 = tpu.memref_slice %arg4[%add3A_82, %dma_start3A_83] : memref<819200x128xf32, #tpu.memory_space<hbm>> -> memref<64x128xf32, #tpu.memory_space<hbm>>
    %dma_start3A_85 = arith.constant 0 : i32
    %dma_start3A_86 = tpu.memref_slice %arg4[%add3A_82, %dma_start3A_85] : memref<819200x128xf32, #tpu.memory_space<hbm>> -> memref<64x128xf32, #tpu.memory_space<hbm>>
    tpu.enqueue_dma source(%arg10 : memref<64x128xf32, #tpu.memory_space<vmem>>) target(%dma_start3A_86 : memref<64x128xf32, #tpu.memory_space<hbm>>) target_semaphore(%arg30 : memref<!tpu.dma_semaphore, #tpu.memory_space<semaphore_mem>>)
    %dma_start3A_87 = arith.constant 512 : i32
    %dma_start3A_88 = tpu.memref_slice %arg5[%dma_start3A_87] : memref<25600xi32, #tpu.memory_space<vmem>> -> memref<64xi32, #tpu.memory_space<vmem>>
    %dma_start3A_89 = arith.constant 0 : i32
    %dma_start3A_90 = arith.constant 0 : i32
    %dma_start3A_91 = tpu.memref_slice %arg6[%dma_start3A_89, %dma_start3A_90] : memref<51x128xf32, #tpu.memory_space<vmem_shared>> -> memref<51x128xf32, #tpu.memory_space<vmem_shared>>
    tpu.enqueue_indirect_dma source(%dma_start3A_91 : memref<51x128xf32, #tpu.memory_space<vmem_shared>>) target(%arg15 : memref<64x128xf32, #tpu.memory_space<vmem>>) offsets(%dma_start3A_88 : memref<64xi32, #tpu.memory_space<vmem>>) semaphore(%arg25 : memref<!tpu.dma_semaphore, #tpu.memory_space<semaphore_mem>>)
    %dma_wait3A_92 = arith.constant 256 : i32
    %dma_wait3A_93 = tpu.memref_slice %arg5[%dma_wait3A_92] : memref<25600xi32, #tpu.memory_space<vmem>> -> memref<64xi32, #tpu.memory_space<vmem>>
    %dma_wait3A_94 = arith.constant 0 : i32
    %dma_wait3A_95 = arith.constant 0 : i32
    %dma_wait3A_96 = tpu.memref_slice %arg6[%dma_wait3A_94, %dma_wait3A_95] : memref<51x128xf32, #tpu.memory_space<vmem_shared>> -> memref<51x128xf32, #tpu.memory_space<vmem_shared>>
    tpu.wait_indirect_dma semaphore(%arg21 : memref<!tpu.dma_semaphore, #tpu.memory_space<semaphore_mem>>) src(%dma_wait3A_96 : memref<51x128xf32, #tpu.memory_space<vmem_shared>>) dst(%arg11 : memref<64x128xf32, #tpu.memory_space<vmem>>)
    %add3A_97 = arith.constant 256 : i32
    %add3A_98 = arith.addi %mul3A_2, %add3A_97 : i32
    %dma_start3A_99 = arith.constant 0 : i32
    %dma_start3A_100 = tpu.memref_slice %arg4[%add3A_98, %dma_start3A_99] : memref<819200x128xf32, #tpu.memory_space<hbm>> -> memref<64x128xf32, #tpu.memory_space<hbm>>
    %dma_start3A_101 = arith.constant 0 : i32
    %dma_start3A_102 = tpu.memref_slice %arg4[%add3A_98, %dma_start3A_101] : memref<819200x128xf32, #tpu.memory_space<hbm>> -> memref<64x128xf32, #tpu.memory_space<hbm>>
    tpu.enqueue_dma source(%arg11 : memref<64x128xf32, #tpu.memory_space<vmem>>) target(%dma_start3A_102 : memref<64x128xf32, #tpu.memory_space<hbm>>) target_semaphore(%arg31 : memref<!tpu.dma_semaphore, #tpu.memory_space<semaphore_mem>>)
    %dma_start3A_103 = arith.constant 576 : i32
    %dma_start3A_104 = tpu.memref_slice %arg5[%dma_start3A_103] : memref<25600xi32, #tpu.memory_space<vmem>> -> memref<64xi32, #tpu.memory_space<vmem>>
    %dma_start3A_105 = arith.constant 0 : i32
    %dma_start3A_106 = arith.constant 0 : i32
    %dma_start3A_107 = tpu.memref_slice %arg6[%dma_start3A_105, %dma_start3A_106] : memref<51x128xf32, #tpu.memory_space<vmem_shared>> -> memref<51x128xf32, #tpu.memory_space<vmem_shared>>
    tpu.enqueue_indirect_dma source(%dma_start3A_107 : memref<51x128xf32, #tpu.memory_space<vmem_shared>>) target(%arg16 : memref<64x128xf32, #tpu.memory_space<vmem>>) offsets(%dma_start3A_104 : memref<64xi32, #tpu.memory_space<vmem>>) semaphore(%arg26 : memref<!tpu.dma_semaphore, #tpu.memory_space<semaphore_mem>>)
    %dma_wait3A_108 = arith.constant 320 : i32
    %dma_wait3A_109 = tpu.memref_slice %arg5[%dma_wait3A_108] : memref<25600xi32, #tpu.memory_space<vmem>> -> memref<64xi32, #tpu.memory_space<vmem>>
    %dma_wait3A_110 = arith.constant 0 : i32
    %dma_wait3A_111 = arith.constant 0 : i32
    %dma_wait3A_112 = tpu.memref_slice %arg6[%dma_wait3A_110, %dma_wait3A_111] : memref<51x128xf32, #tpu.memory_space<vmem_shared>> -> memref<51x128xf32, #tpu.memory_space<vmem_shared>>
    tpu.wait_indirect_dma semaphore(%arg22 : memref<!tpu.dma_semaphore, #tpu.memory_space<semaphore_mem>>) src(%dma_wait3A_112 : memref<51x128xf32, #tpu.memory_space<vmem_shared>>) dst(%arg12 : memref<64x128xf32, #tpu.memory_space<vmem>>)
    %add3A_113 = arith.constant 320 : i32
    %add3A_114 = arith.addi %mul3A_2, %add3A_113 : i32
    %dma_start3A_115 = arith.constant 0 : i32
    %dma_start3A_116 = tpu.memref_slice %arg4[%add3A_114, %dma_start3A_115] : memref<819200x128xf32, #tpu.memory_space<hbm>> -> memref<64x128xf32, #tpu.memory_space<hbm>>
    %dma_start3A_117 = arith.constant 0 : i32
    %dma_start3A_118 = tpu.memref_slice %arg4[%add3A_114, %dma_start3A_117] : memref<819200x128xf32, #tpu.memory_space<hbm>> -> memref<64x128xf32, #tpu.memory_space<hbm>>
    tpu.enqueue_dma source(%arg12 : memref<64x128xf32, #tpu.memory_space<vmem>>) target(%dma_start3A_118 : memref<64x128xf32, #tpu.memory_space<hbm>>) target_semaphore(%arg32 : memref<!tpu.dma_semaphore, #tpu.memory_space<semaphore_mem>>)
    %add3A_119 = arith.constant 0 : i32
    %add3A_120 = arith.addi %mul3A_2, %add3A_119 : i32
    %dma_wait3A_121 = arith.constant 0 : i32
    %dma_wait3A_122 = tpu.memref_slice %arg4[%add3A_120, %dma_wait3A_121] : memref<819200x128xf32, #tpu.memory_space<hbm>> -> memref<64x128xf32, #tpu.memory_space<hbm>>
    %dma_wait3A_123 = arith.constant 0 : i32
    %dma_wait3A_124 = tpu.memref_slice %arg4[%add3A_120, %dma_wait3A_123] : memref<819200x128xf32, #tpu.memory_space<hbm>> -> memref<64x128xf32, #tpu.memory_space<hbm>>
    tpu.wait_dma2 semaphore(%arg27 : memref<!tpu.dma_semaphore, #tpu.memory_space<semaphore_mem>>) src(%arg7 : memref<64x128xf32, #tpu.memory_space<vmem>>) dst(%dma_wait3A_124 : memref<64x128xf32, #tpu.memory_space<hbm>>)
    %dma_start3A_125 = arith.constant 640 : i32
    %dma_start3A_126 = tpu.memref_slice %arg5[%dma_start3A_125] : memref<25600xi32, #tpu.memory_space<vmem>> -> memref<64xi32, #tpu.memory_space<vmem>>
    %dma_start3A_127 = arith.constant 0 : i32
    %dma_start3A_128 = arith.constant 0 : i32
    %dma_start3A_129 = tpu.memref_slice %arg6[%dma_start3A_127, %dma_start3A_128] : memref<51x128xf32, #tpu.memory_space<vmem_shared>> -> memref<51x128xf32, #tpu.memory_space<vmem_shared>>
    tpu.enqueue_indirect_dma source(%dma_start3A_129 : memref<51x128xf32, #tpu.memory_space<vmem_shared>>) target(%arg7 : memref<64x128xf32, #tpu.memory_space<vmem>>) offsets(%dma_start3A_126 : memref<64xi32, #tpu.memory_space<vmem>>) semaphore(%arg17 : memref<!tpu.dma_semaphore, #tpu.memory_space<semaphore_mem>>)
    %dma_wait3A_130 = arith.constant 384 : i32
    %dma_wait3A_131 = tpu.memref_slice %arg5[%dma_wait3A_130] : memref<25600xi32, #tpu.memory_space<vmem>> -> memref<64xi32, #tpu.memory_space<vmem>>
    %dma_wait3A_132 = arith.constant 0 : i32
    %dma_wait3A_133 = arith.constant 0 : i32
    %dma_wait3A_134 = tpu.memref_slice %arg6[%dma_wait3A_132, %dma_wait3A_133] : memref<51x128xf32, #tpu.memory_space<vmem_shared>> -> memref<51x128xf32, #tpu.memory_space<vmem_shared>>
    tpu.wait_indirect_dma semaphore(%arg23 : memref<!tpu.dma_semaphore, #tpu.memory_space<semaphore_mem>>) src(%dma_wait3A_134 : memref<51x128xf32, #tpu.memory_space<vmem_shared>>) dst(%arg13 : memref<64x128xf32, #tpu.memory_space<vmem>>)
    %add3A_135 = arith.constant 384 : i32
    %add3A_136 = arith.addi %mul3A_2, %add3A_135 : i32
    %dma_start3A_137 = arith.constant 0 : i32
    %dma_start3A_138 = tpu.memref_slice %arg4[%add3A_136, %dma_start3A_137] : memref<819200x128xf32, #tpu.memory_space<hbm>> -> memref<64x128xf32, #tpu.memory_space<hbm>>
    %dma_start3A_139 = arith.constant 0 : i32
    %dma_start3A_140 = tpu.memref_slice %arg4[%add3A_136, %dma_start3A_139] : memref<819200x128xf32, #tpu.memory_space<hbm>> -> memref<64x128xf32, #tpu.memory_space<hbm>>
    tpu.enqueue_dma source(%arg13 : memref<64x128xf32, #tpu.memory_space<vmem>>) target(%dma_start3A_140 : memref<64x128xf32, #tpu.memory_space<hbm>>) target_semaphore(%arg33 : memref<!tpu.dma_semaphore, #tpu.memory_space<semaphore_mem>>)
    %add3A_141 = arith.constant 64 : i32
    %add3A_142 = arith.addi %mul3A_2, %add3A_141 : i32
    %dma_wait3A_143 = arith.constant 0 : i32
    %dma_wait3A_144 = tpu.memref_slice %arg4[%add3A_142, %dma_wait3A_143] : memref<819200x128xf32, #tpu.memory_space<hbm>> -> memref<64x128xf32, #tpu.memory_space<hbm>>
    %dma_wait3A_145 = arith.constant 0 : i32
    %dma_wait3A_146 = tpu.memref_slice %arg4[%add3A_142, %dma_wait3A_145] : memref<819200x128xf32, #tpu.memory_space<hbm>> -> memref<64x128xf32, #tpu.memory_space<hbm>>
    tpu.wait_dma2 semaphore(%arg28 : memref<!tpu.dma_semaphore, #tpu.memory_space<semaphore_mem>>) src(%arg8 : memref<64x128xf32, #tpu.memory_space<vmem>>) dst(%dma_wait3A_146 : memref<64x128xf32, #tpu.memory_space<hbm>>)
    %dma_start3A_147 = arith.constant 704 : i32
    %dma_start3A_148 = tpu.memref_slice %arg5[%dma_start3A_147] : memref<25600xi32, #tpu.memory_space<vmem>> -> memref<64xi32, #tpu.memory_space<vmem>>
    %dma_start3A_149 = arith.constant 0 : i32
    %dma_start3A_150 = arith.constant 0 : i32
    %dma_start3A_151 = tpu.memref_slice %arg6[%dma_start3A_149, %dma_start3A_150] : memref<51x128xf32, #tpu.memory_space<vmem_shared>> -> memref<51x128xf32, #tpu.memory_space<vmem_shared>>
    tpu.enqueue_indirect_dma source(%dma_start3A_151 : memref<51x128xf32, #tpu.memory_space<vmem_shared>>) target(%arg8 : memref<64x128xf32, #tpu.memory_space<vmem>>) offsets(%dma_start3A_148 : memref<64xi32, #tpu.memory_space<vmem>>) semaphore(%arg18 : memref<!tpu.dma_semaphore, #tpu.memory_space<semaphore_mem>>)
    %dma_wait3A_152 = arith.constant 448 : i32
    %dma_wait3A_153 = tpu.memref_slice %arg5[%dma_wait3A_152] : memref<25600xi32, #tpu.memory_space<vmem>> -> memref<64xi32, #tpu.memory_space<vmem>>
    %dma_wait3A_154 = arith.constant 0 : i32
    %dma_wait3A_155 = arith.constant 0 : i32
    %dma_wait3A_156 = tpu.memref_slice %arg6[%dma_wait3A_154, %dma_wait3A_155] : memref<51x128xf32, #tpu.memory_space<vmem_shared>> -> memref<51x128xf32, #tpu.memory_space<vmem_shared>>
    tpu.wait_indirect_dma semaphore(%arg24 : memref<!tpu.dma_semaphore, #tpu.memory_space<semaphore_mem>>) src(%dma_wait3A_156 : memref<51x128xf32, #tpu.memory_space<vmem_shared>>) dst(%arg14 : memref<64x128xf32, #tpu.memory_space<vmem>>)
    %add3A_157 = arith.constant 448 : i32
    %add3A_158 = arith.addi %mul3A_2, %add3A_157 : i32
    %dma_start3A_159 = arith.constant 0 : i32
    %dma_start3A_160 = tpu.memref_slice %arg4[%add3A_158, %dma_start3A_159] : memref<819200x128xf32, #tpu.memory_space<hbm>> -> memref<64x128xf32, #tpu.memory_space<hbm>>
    %dma_start3A_161 = arith.constant 0 : i32
    %dma_start3A_162 = tpu.memref_slice %arg4[%add3A_158, %dma_start3A_161] : memref<819200x128xf32, #tpu.memory_space<hbm>> -> memref<64x128xf32, #tpu.memory_space<hbm>>
    tpu.enqueue_dma source(%arg14 : memref<64x128xf32, #tpu.memory_space<vmem>>) target(%dma_start3A_162 : memref<64x128xf32, #tpu.memory_space<hbm>>) target_semaphore(%arg34 : memref<!tpu.dma_semaphore, #tpu.memory_space<semaphore_mem>>)
    %add3A_163 = arith.constant 128 : i32
    %add3A_164 = arith.addi %mul3A_2, %add3A_163 : i32
    %dma_wait3A_165 = arith.constant 0 : i32
    %dma_wait3A_166 = tpu.memref_slice %arg4[%add3A_164, %dma_wait3A_165] : memref<819200x128xf32, #tpu.memory_space<hbm>> -> memref<64x128xf32, #tpu.memory_space<hbm>>
    %dma_wait3A_167 = arith.constant 0 : i32
    %dma_wait3A_168 = tpu.memref_slice %arg4[%add3A_164, %dma_wait3A_167] : memref<819200x128xf32, #tpu.memory_space<hbm>> -> memref<64x128xf32, #tpu.memory_space<hbm>>
    tpu.wait_dma2 semaphore(%arg29 : memref<!tpu.dma_semaphore, #tpu.memory_space<semaphore_mem>>) src(%arg9 : memref<64x128xf32, #tpu.memory_space<vmem>>) dst(%dma_wait3A_168 : memref<64x128xf32, #tpu.memory_space<hbm>>)
    %dma_start3A_169 = arith.constant 768 : i32
    %dma_start3A_170 = tpu.memref_slice %arg5[%dma_start3A_169] : memref<25600xi32, #tpu.memory_space<vmem>> -> memref<64xi32, #tpu.memory_space<vmem>>
    %dma_start3A_171 = arith.constant 0 : i32
    %dma_start3A_172 = arith.constant 0 : i32
    %dma_start3A_173 = tpu.memref_slice %arg6[%dma_start3A_171, %dma_start3A_172] : memref<51x128xf32, #tpu.memory_space<vmem_shared>> -> memref<51x128xf32, #tpu.memory_space<vmem_shared>>
    tpu.enqueue_indirect_dma source(%dma_start3A_173 : memref<51x128xf32, #tpu.memory_space<vmem_shared>>) target(%arg9 : memref<64x128xf32, #tpu.memory_space<vmem>>) offsets(%dma_start3A_170 : memref<64xi32, #tpu.memory_space<vmem>>) semaphore(%arg19 : memref<!tpu.dma_semaphore, #tpu.memory_space<semaphore_mem>>)
    %dma_wait3A_174 = arith.constant 512 : i32
    %dma_wait3A_175 = tpu.memref_slice %arg5[%dma_wait3A_174] : memref<25600xi32, #tpu.memory_space<vmem>> -> memref<64xi32, #tpu.memory_space<vmem>>
    %dma_wait3A_176 = arith.constant 0 : i32
    %dma_wait3A_177 = arith.constant 0 : i32
    %dma_wait3A_178 = tpu.memref_slice %arg6[%dma_wait3A_176, %dma_wait3A_177] : memref<51x128xf32, #tpu.memory_space<vmem_shared>> -> memref<51x128xf32, #tpu.memory_space<vmem_shared>>
    tpu.wait_indirect_dma semaphore(%arg25 : memref<!tpu.dma_semaphore, #tpu.memory_space<semaphore_mem>>) src(%dma_wait3A_178 : memref<51x128xf32, #tpu.memory_space<vmem_shared>>) dst(%arg15 : memref<64x128xf32, #tpu.memory_space<vmem>>)
    %add3A_179 = arith.constant 512 : i32
    %add3A_180 = arith.addi %mul3A_2, %add3A_179 : i32
    %dma_start3A_181 = arith.constant 0 : i32
    %dma_start3A_182 = tpu.memref_slice %arg4[%add3A_180, %dma_start3A_181] : memref<819200x128xf32, #tpu.memory_space<hbm>> -> memref<64x128xf32, #tpu.memory_space<hbm>>
    %dma_start3A_183 = arith.constant 0 : i32
    %dma_start3A_184 = tpu.memref_slice %arg4[%add3A_180, %dma_start3A_183] : memref<819200x128xf32, #tpu.memory_space<hbm>> -> memref<64x128xf32, #tpu.memory_space<hbm>>
    tpu.enqueue_dma source(%arg15 : memref<64x128xf32, #tpu.memory_space<vmem>>) target(%dma_start3A_184 : memref<64x128xf32, #tpu.memory_space<hbm>>) target_semaphore(%arg35 : memref<!tpu.dma_semaphore, #tpu.memory_space<semaphore_mem>>)
    %add3A_185 = arith.constant 192 : i32
    %add3A_186 = arith.addi %mul3A_2, %add3A_185 : i32
    %dma_wait3A_187 = arith.constant 0 : i32
    %dma_wait3A_188 = tpu.memref_slice %arg4[%add3A_186, %dma_wait3A_187] : memref<819200x128xf32, #tpu.memory_space<hbm>> -> memref<64x128xf32, #tpu.memory_space<hbm>>
    %dma_wait3A_189 = arith.constant 0 : i32
    %dma_wait3A_190 = tpu.memref_slice %arg4[%add3A_186, %dma_wait3A_189] : memref<819200x128xf32, #tpu.memory_space<hbm>> -> memref<64x128xf32, #tpu.memory_space<hbm>>
    tpu.wait_dma2 semaphore(%arg30 : memref<!tpu.dma_semaphore, #tpu.memory_space<semaphore_mem>>) src(%arg10 : memref<64x128xf32, #tpu.memory_space<vmem>>) dst(%dma_wait3A_190 : memref<64x128xf32, #tpu.memory_space<hbm>>)
    %dma_start3A_191 = arith.constant 832 : i32
    %dma_start3A_192 = tpu.memref_slice %arg5[%dma_start3A_191] : memref<25600xi32, #tpu.memory_space<vmem>> -> memref<64xi32, #tpu.memory_space<vmem>>
    %dma_start3A_193 = arith.constant 0 : i32
    %dma_start3A_194 = arith.constant 0 : i32
    %dma_start3A_195 = tpu.memref_slice %arg6[%dma_start3A_193, %dma_start3A_194] : memref<51x128xf32, #tpu.memory_space<vmem_shared>> -> memref<51x128xf32, #tpu.memory_space<vmem_shared>>
    tpu.enqueue_indirect_dma source(%dma_start3A_195 : memref<51x128xf32, #tpu.memory_space<vmem_shared>>) target(%arg10 : memref<64x128xf32, #tpu.memory_space<vmem>>) offsets(%dma_start3A_192 : memref<64xi32, #tpu.memory_space<vmem>>) semaphore(%arg20 : memref<!tpu.dma_semaphore, #tpu.memory_space<semaphore_mem>>)
    %dma_wait3A_196 = arith.constant 576 : i32
    %dma_wait3A_197 = tpu.memref_slice %arg5[%dma_wait3A_196] : memref<25600xi32, #tpu.memory_space<vmem>> -> memref<64xi32, #tpu.memory_space<vmem>>
    %dma_wait3A_198 = arith.constant 0 : i32
    %dma_wait3A_199 = arith.constant 0 : i32
    %dma_wait3A_200 = tpu.memref_slice %arg6[%dma_wait3A_198, %dma_wait3A_199] : memref<51x128xf32, #tpu.memory_space<vmem_shared>> -> memref<51x128xf32, #tpu.memory_space<vmem_shared>>
    tpu.wait_indirect_dma semaphore(%arg26 : memref<!tpu.dma_semaphore, #tpu.memory_space<semaphore_mem>>) src(%dma_wait3A_200 : memref<51x128xf32, #tpu.memory_space<vmem_shared>>) dst(%arg16 : memref<64x128xf32, #tpu.memory_space<vmem>>)
    %add3A_201 = arith.constant 576 : i32
    %add3A_202 = arith.addi %mul3A_2, %add3A_201 : i32
    %dma_start3A_203 = arith.constant 0 : i32
    %dma_start3A_204 = tpu.memref_slice %arg4[%add3A_202, %dma_start3A_203] : memref<819200x128xf32, #tpu.memory_space<hbm>> -> memref<64x128xf32, #tpu.memory_space<hbm>>
    %dma_start3A_205 = arith.constant 0 : i32
    %dma_start3A_206 = tpu.memref_slice %arg4[%add3A_202, %dma_start3A_205] : memref<819200x128xf32, #tpu.memory_space<hbm>> -> memref<64x128xf32, #tpu.memory_space<hbm>>
    tpu.enqueue_dma source(%arg16 : memref<64x128xf32, #tpu.memory_space<vmem>>) target(%dma_start3A_206 : memref<64x128xf32, #tpu.memory_space<hbm>>) target_semaphore(%arg36 : memref<!tpu.dma_semaphore, #tpu.memory_space<semaphore_mem>>)
    %add3A_207 = arith.constant 256 : i32
    %add3A_208 = arith.addi %mul3A_2, %add3A_207 : i32
    %dma_wait3A_209 = arith.constant 0 : i32
    %dma_wait3A_210 = tpu.memref_slice %arg4[%add3A_208, %dma_wait3A_209] : memref<819200x128xf32, #tpu.memory_space<hbm>> -> memref<64x128xf32, #tpu.memory_space<hbm>>
    %dma_wait3A_211 = arith.constant 0 : i32
    %dma_wait3A_212 = tpu.memref_slice %arg4[%add3A_208, %dma_wait3A_211] : memref<819200x128xf32, #tpu.memory_space<hbm>> -> memref<64x128xf32, #tpu.memory_space<hbm>>
    tpu.wait_dma2 semaphore(%arg31 : memref<!tpu.dma_semaphore, #tpu.memory_space<semaphore_mem>>) src(%arg11 : memref<64x128xf32, #tpu.memory_space<vmem>>) dst(%dma_wait3A_212 : memref<64x128xf32, #tpu.memory_space<hbm>>)
    %dma_start3A_213 = arith.constant 896 : i32
    %dma_start3A_214 = tpu.memref_slice %arg5[%dma_start3A_213] : memref<25600xi32, #tpu.memory_space<vmem>> -> memref<64xi32, #tpu.memory_space<vmem>>
    %dma_start3A_215 = arith.constant 0 : i32
    %dma_start3A_216 = arith.constant 0 : i32
    %dma_start3A_217 = tpu.memref_slice %arg6[%dma_start3A_215, %dma_start3A_216] : memref<51x128xf32, #tpu.memory_space<vmem_shared>> -> memref<51x128xf32, #tpu.memory_space<vmem_shared>>
    tpu.enqueue_indirect_dma source(%dma_start3A_217 : memref<51x128xf32, #tpu.memory_space<vmem_shared>>) target(%arg11 : memref<64x128xf32, #tpu.memory_space<vmem>>) offsets(%dma_start3A_214 : memref<64xi32, #tpu.memory_space<vmem>>) semaphore(%arg21 : memref<!tpu.dma_semaphore, #tpu.memory_space<semaphore_mem>>)
    %scan3A = arith.constant 0 : i32
    %scan3A_218 = arith.constant 1 : i32
    %scan3A_219 = arith.constant 38 : i32
    %scan3A_220 = arith.addi %scan3A_218, %scan3A_219 : i32
    %scan3A_221 = arith.constant 1 : i32
    scf.for %scan3A_448 = %scan3A_218 to %scan3A_220 step %scan3A_221  : i32 {
      %mul3A_449 = arith.constant 10 : i32
      %mul3A_450 = arith.muli %scan3A_448, %mul3A_449 : i32
      %add3A_451 = arith.constant 0 : i32
      %add3A_452 = arith.addi %mul3A_450, %add3A_451 : i32
      %mul3A_453 = arith.constant 64 : i32
      %mul3A_454 = arith.muli %add3A_452, %mul3A_453 : i32
      %dma_wait3A_455 = tpu.memref_slice %arg5[%mul3A_454] : memref<25600xi32, #tpu.memory_space<vmem>> -> memref<64xi32, #tpu.memory_space<vmem>>
      %dma_wait3A_456 = arith.constant 0 : i32
      %dma_wait3A_457 = arith.constant 0 : i32
      %dma_wait3A_458 = tpu.memref_slice %arg6[%dma_wait3A_456, %dma_wait3A_457] : memref<51x128xf32, #tpu.memory_space<vmem_shared>> -> memref<51x128xf32, #tpu.memory_space<vmem_shared>>
      tpu.wait_indirect_dma semaphore(%arg17 : memref<!tpu.dma_semaphore, #tpu.memory_space<semaphore_mem>>) src(%dma_wait3A_458 : memref<51x128xf32, #tpu.memory_space<vmem_shared>>) dst(%arg7 : memref<64x128xf32, #tpu.memory_space<vmem>>)
      %mul3A_459 = arith.constant 64 : i32
      %mul3A_460 = arith.muli %add3A_452, %mul3A_459 : i32
      %add3A_461 = arith.addi %mul3A_2, %mul3A_460 : i32
      %dma_start3A_462 = arith.constant 0 : i32
      %dma_start3A_463 = tpu.memref_slice %arg4[%add3A_461, %dma_start3A_462] : memref<819200x128xf32, #tpu.memory_space<hbm>> -> memref<64x128xf32, #tpu.memory_space<hbm>>
      %dma_start3A_464 = arith.constant 0 : i32
      %dma_start3A_465 = tpu.memref_slice %arg4[%add3A_461, %dma_start3A_464] : memref<819200x128xf32, #tpu.memory_space<hbm>> -> memref<64x128xf32, #tpu.memory_space<hbm>>
      tpu.enqueue_dma source(%arg7 : memref<64x128xf32, #tpu.memory_space<vmem>>) target(%dma_start3A_465 : memref<64x128xf32, #tpu.memory_space<hbm>>) target_semaphore(%arg27 : memref<!tpu.dma_semaphore, #tpu.memory_space<semaphore_mem>>)
      %sub3A = arith.constant 5 : i32
      %sub3A_466 = arith.subi %add3A_452, %sub3A : i32
      %mul3A_467 = arith.constant 64 : i32
      %mul3A_468 = arith.muli %sub3A_466, %mul3A_467 : i32
      %add3A_469 = arith.addi %mul3A_2, %mul3A_468 : i32
      %dma_wait3A_470 = arith.constant 0 : i32
      %dma_wait3A_471 = tpu.memref_slice %arg4[%add3A_469, %dma_wait3A_470] : memref<819200x128xf32, #tpu.memory_space<hbm>> -> memref<64x128xf32, #tpu.memory_space<hbm>>
      %dma_wait3A_472 = arith.constant 0 : i32
      %dma_wait3A_473 = tpu.memref_slice %arg4[%add3A_469, %dma_wait3A_472] : memref<819200x128xf32, #tpu.memory_space<hbm>> -> memref<64x128xf32, #tpu.memory_space<hbm>>
      tpu.wait_dma2 semaphore(%arg32 : memref<!tpu.dma_semaphore, #tpu.memory_space<semaphore_mem>>) src(%arg12 : memref<64x128xf32, #tpu.memory_space<vmem>>) dst(%dma_wait3A_473 : memref<64x128xf32, #tpu.memory_space<hbm>>)
      %add3A_474 = arith.constant 5 : i32
      %add3A_475 = arith.addi %add3A_452, %add3A_474 : i32
      %mul3A_476 = arith.constant 64 : i32
      %mul3A_477 = arith.muli %add3A_475, %mul3A_476 : i32
      %dma_start3A_478 = tpu.memref_slice %arg5[%mul3A_477] : memref<25600xi32, #tpu.memory_space<vmem>> -> memref<64xi32, #tpu.memory_space<vmem>>
      %dma_start3A_479 = arith.constant 0 : i32
      %dma_start3A_480 = arith.constant 0 : i32
      %dma_start3A_481 = tpu.memref_slice %arg6[%dma_start3A_479, %dma_start3A_480] : memref<51x128xf32, #tpu.memory_space<vmem_shared>> -> memref<51x128xf32, #tpu.memory_space<vmem_shared>>
      tpu.enqueue_indirect_dma source(%dma_start3A_481 : memref<51x128xf32, #tpu.memory_space<vmem_shared>>) target(%arg12 : memref<64x128xf32, #tpu.memory_space<vmem>>) offsets(%dma_start3A_478 : memref<64xi32, #tpu.memory_space<vmem>>) semaphore(%arg22 : memref<!tpu.dma_semaphore, #tpu.memory_space<semaphore_mem>>)
      %mul3A_482 = arith.constant 10 : i32
      %mul3A_483 = arith.muli %scan3A_448, %mul3A_482 : i32
      %add3A_484 = arith.constant 1 : i32
      %add3A_485 = arith.addi %mul3A_483, %add3A_484 : i32
      %mul3A_486 = arith.constant 64 : i32
      %mul3A_487 = arith.muli %add3A_485, %mul3A_486 : i32
      %dma_wait3A_488 = tpu.memref_slice %arg5[%mul3A_487] : memref<25600xi32, #tpu.memory_space<vmem>> -> memref<64xi32, #tpu.memory_space<vmem>>
      %dma_wait3A_489 = arith.constant 0 : i32
      %dma_wait3A_490 = arith.constant 0 : i32
      %dma_wait3A_491 = tpu.memref_slice %arg6[%dma_wait3A_489, %dma_wait3A_490] : memref<51x128xf32, #tpu.memory_space<vmem_shared>> -> memref<51x128xf32, #tpu.memory_space<vmem_shared>>
      tpu.wait_indirect_dma semaphore(%arg18 : memref<!tpu.dma_semaphore, #tpu.memory_space<semaphore_mem>>) src(%dma_wait3A_491 : memref<51x128xf32, #tpu.memory_space<vmem_shared>>) dst(%arg8 : memref<64x128xf32, #tpu.memory_space<vmem>>)
      %mul3A_492 = arith.constant 64 : i32
      %mul3A_493 = arith.muli %add3A_485, %mul3A_492 : i32
      %add3A_494 = arith.addi %mul3A_2, %mul3A_493 : i32
      %dma_start3A_495 = arith.constant 0 : i32
      %dma_start3A_496 = tpu.memref_slice %arg4[%add3A_494, %dma_start3A_495] : memref<819200x128xf32, #tpu.memory_space<hbm>> -> memref<64x128xf32, #tpu.memory_space<hbm>>
      %dma_start3A_497 = arith.constant 0 : i32
      %dma_start3A_498 = tpu.memref_slice %arg4[%add3A_494, %dma_start3A_497] : memref<819200x128xf32, #tpu.memory_space<hbm>> -> memref<64x128xf32, #tpu.memory_space<hbm>>
      tpu.enqueue_dma source(%arg8 : memref<64x128xf32, #tpu.memory_space<vmem>>) target(%dma_start3A_498 : memref<64x128xf32, #tpu.memory_space<hbm>>) target_semaphore(%arg28 : memref<!tpu.dma_semaphore, #tpu.memory_space<semaphore_mem>>)
      %sub3A_499 = arith.constant 5 : i32
      %sub3A_500 = arith.subi %add3A_485, %sub3A_499 : i32
      %mul3A_501 = arith.constant 64 : i32
      %mul3A_502 = arith.muli %sub3A_500, %mul3A_501 : i32
      %add3A_503 = arith.addi %mul3A_2, %mul3A_502 : i32
      %dma_wait3A_504 = arith.constant 0 : i32
      %dma_wait3A_505 = tpu.memref_slice %arg4[%add3A_503, %dma_wait3A_504] : memref<819200x128xf32, #tpu.memory_space<hbm>> -> memref<64x128xf32, #tpu.memory_space<hbm>>
      %dma_wait3A_506 = arith.constant 0 : i32
      %dma_wait3A_507 = tpu.memref_slice %arg4[%add3A_503, %dma_wait3A_506] : memref<819200x128xf32, #tpu.memory_space<hbm>> -> memref<64x128xf32, #tpu.memory_space<hbm>>
      tpu.wait_dma2 semaphore(%arg33 : memref<!tpu.dma_semaphore, #tpu.memory_space<semaphore_mem>>) src(%arg13 : memref<64x128xf32, #tpu.memory_space<vmem>>) dst(%dma_wait3A_507 : memref<64x128xf32, #tpu.memory_space<hbm>>)
      %add3A_508 = arith.constant 5 : i32
      %add3A_509 = arith.addi %add3A_485, %add3A_508 : i32
      %mul3A_510 = arith.constant 64 : i32
      %mul3A_511 = arith.muli %add3A_509, %mul3A_510 : i32
      %dma_start3A_512 = tpu.memref_slice %arg5[%mul3A_511] : memref<25600xi32, #tpu.memory_space<vmem>> -> memref<64xi32, #tpu.memory_space<vmem>>
      %dma_start3A_513 = arith.constant 0 : i32
      %dma_start3A_514 = arith.constant 0 : i32
      %dma_start3A_515 = tpu.memref_slice %arg6[%dma_start3A_513, %dma_start3A_514] : memref<51x128xf32, #tpu.memory_space<vmem_shared>> -> memref<51x128xf32, #tpu.memory_space<vmem_shared>>
      tpu.enqueue_indirect_dma source(%dma_start3A_515 : memref<51x128xf32, #tpu.memory_space<vmem_shared>>) target(%arg13 : memref<64x128xf32, #tpu.memory_space<vmem>>) offsets(%dma_start3A_512 : memref<64xi32, #tpu.memory_space<vmem>>) semaphore(%arg23 : memref<!tpu.dma_semaphore, #tpu.memory_space<semaphore_mem>>)
      %mul3A_516 = arith.constant 10 : i32
      %mul3A_517 = arith.muli %scan3A_448, %mul3A_516 : i32
      %add3A_518 = arith.constant 2 : i32
      %add3A_519 = arith.addi %mul3A_517, %add3A_518 : i32
      %mul3A_520 = arith.constant 64 : i32
      %mul3A_521 = arith.muli %add3A_519, %mul3A_520 : i32
      %dma_wait3A_522 = tpu.memref_slice %arg5[%mul3A_521] : memref<25600xi32, #tpu.memory_space<vmem>> -> memref<64xi32, #tpu.memory_space<vmem>>
      %dma_wait3A_523 = arith.constant 0 : i32
      %dma_wait3A_524 = arith.constant 0 : i32
      %dma_wait3A_525 = tpu.memref_slice %arg6[%dma_wait3A_523, %dma_wait3A_524] : memref<51x128xf32, #tpu.memory_space<vmem_shared>> -> memref<51x128xf32, #tpu.memory_space<vmem_shared>>
      tpu.wait_indirect_dma semaphore(%arg19 : memref<!tpu.dma_semaphore, #tpu.memory_space<semaphore_mem>>) src(%dma_wait3A_525 : memref<51x128xf32, #tpu.memory_space<vmem_shared>>) dst(%arg9 : memref<64x128xf32, #tpu.memory_space<vmem>>)
      %mul3A_526 = arith.constant 64 : i32
      %mul3A_527 = arith.muli %add3A_519, %mul3A_526 : i32
      %add3A_528 = arith.addi %mul3A_2, %mul3A_527 : i32
      %dma_start3A_529 = arith.constant 0 : i32
      %dma_start3A_530 = tpu.memref_slice %arg4[%add3A_528, %dma_start3A_529] : memref<819200x128xf32, #tpu.memory_space<hbm>> -> memref<64x128xf32, #tpu.memory_space<hbm>>
      %dma_start3A_531 = arith.constant 0 : i32
      %dma_start3A_532 = tpu.memref_slice %arg4[%add3A_528, %dma_start3A_531] : memref<819200x128xf32, #tpu.memory_space<hbm>> -> memref<64x128xf32, #tpu.memory_space<hbm>>
      tpu.enqueue_dma source(%arg9 : memref<64x128xf32, #tpu.memory_space<vmem>>) target(%dma_start3A_532 : memref<64x128xf32, #tpu.memory_space<hbm>>) target_semaphore(%arg29 : memref<!tpu.dma_semaphore, #tpu.memory_space<semaphore_mem>>)
      %sub3A_533 = arith.constant 5 : i32
      %sub3A_534 = arith.subi %add3A_519, %sub3A_533 : i32
      %mul3A_535 = arith.constant 64 : i32
      %mul3A_536 = arith.muli %sub3A_534, %mul3A_535 : i32
      %add3A_537 = arith.addi %mul3A_2, %mul3A_536 : i32
      %dma_wait3A_538 = arith.constant 0 : i32
      %dma_wait3A_539 = tpu.memref_slice %arg4[%add3A_537, %dma_wait3A_538] : memref<819200x128xf32, #tpu.memory_space<hbm>> -> memref<64x128xf32, #tpu.memory_space<hbm>>
      %dma_wait3A_540 = arith.constant 0 : i32
      %dma_wait3A_541 = tpu.memref_slice %arg4[%add3A_537, %dma_wait3A_540] : memref<819200x128xf32, #tpu.memory_space<hbm>> -> memref<64x128xf32, #tpu.memory_space<hbm>>
      tpu.wait_dma2 semaphore(%arg34 : memref<!tpu.dma_semaphore, #tpu.memory_space<semaphore_mem>>) src(%arg14 : memref<64x128xf32, #tpu.memory_space<vmem>>) dst(%dma_wait3A_541 : memref<64x128xf32, #tpu.memory_space<hbm>>)
      %add3A_542 = arith.constant 5 : i32
      %add3A_543 = arith.addi %add3A_519, %add3A_542 : i32
      %mul3A_544 = arith.constant 64 : i32
      %mul3A_545 = arith.muli %add3A_543, %mul3A_544 : i32
      %dma_start3A_546 = tpu.memref_slice %arg5[%mul3A_545] : memref<25600xi32, #tpu.memory_space<vmem>> -> memref<64xi32, #tpu.memory_space<vmem>>
      %dma_start3A_547 = arith.constant 0 : i32
      %dma_start3A_548 = arith.constant 0 : i32
      %dma_start3A_549 = tpu.memref_slice %arg6[%dma_start3A_547, %dma_start3A_548] : memref<51x128xf32, #tpu.memory_space<vmem_shared>> -> memref<51x128xf32, #tpu.memory_space<vmem_shared>>
      tpu.enqueue_indirect_dma source(%dma_start3A_549 : memref<51x128xf32, #tpu.memory_space<vmem_shared>>) target(%arg14 : memref<64x128xf32, #tpu.memory_space<vmem>>) offsets(%dma_start3A_546 : memref<64xi32, #tpu.memory_space<vmem>>) semaphore(%arg24 : memref<!tpu.dma_semaphore, #tpu.memory_space<semaphore_mem>>)
      %mul3A_550 = arith.constant 10 : i32
      %mul3A_551 = arith.muli %scan3A_448, %mul3A_550 : i32
      %add3A_552 = arith.constant 3 : i32
      %add3A_553 = arith.addi %mul3A_551, %add3A_552 : i32
      %mul3A_554 = arith.constant 64 : i32
      %mul3A_555 = arith.muli %add3A_553, %mul3A_554 : i32
      %dma_wait3A_556 = tpu.memref_slice %arg5[%mul3A_555] : memref<25600xi32, #tpu.memory_space<vmem>> -> memref<64xi32, #tpu.memory_space<vmem>>
      %dma_wait3A_557 = arith.constant 0 : i32
      %dma_wait3A_558 = arith.constant 0 : i32
      %dma_wait3A_559 = tpu.memref_slice %arg6[%dma_wait3A_557, %dma_wait3A_558] : memref<51x128xf32, #tpu.memory_space<vmem_shared>> -> memref<51x128xf32, #tpu.memory_space<vmem_shared>>
      tpu.wait_indirect_dma semaphore(%arg20 : memref<!tpu.dma_semaphore, #tpu.memory_space<semaphore_mem>>) src(%dma_wait3A_559 : memref<51x128xf32, #tpu.memory_space<vmem_shared>>) dst(%arg10 : memref<64x128xf32, #tpu.memory_space<vmem>>)
      %mul3A_560 = arith.constant 64 : i32
      %mul3A_561 = arith.muli %add3A_553, %mul3A_560 : i32
      %add3A_562 = arith.addi %mul3A_2, %mul3A_561 : i32
      %dma_start3A_563 = arith.constant 0 : i32
      %dma_start3A_564 = tpu.memref_slice %arg4[%add3A_562, %dma_start3A_563] : memref<819200x128xf32, #tpu.memory_space<hbm>> -> memref<64x128xf32, #tpu.memory_space<hbm>>
      %dma_start3A_565 = arith.constant 0 : i32
      %dma_start3A_566 = tpu.memref_slice %arg4[%add3A_562, %dma_start3A_565] : memref<819200x128xf32, #tpu.memory_space<hbm>> -> memref<64x128xf32, #tpu.memory_space<hbm>>
      tpu.enqueue_dma source(%arg10 : memref<64x128xf32, #tpu.memory_space<vmem>>) target(%dma_start3A_566 : memref<64x128xf32, #tpu.memory_space<hbm>>) target_semaphore(%arg30 : memref<!tpu.dma_semaphore, #tpu.memory_space<semaphore_mem>>)
      %sub3A_567 = arith.constant 5 : i32
      %sub3A_568 = arith.subi %add3A_553, %sub3A_567 : i32
      %mul3A_569 = arith.constant 64 : i32
      %mul3A_570 = arith.muli %sub3A_568, %mul3A_569 : i32
      %add3A_571 = arith.addi %mul3A_2, %mul3A_570 : i32
      %dma_wait3A_572 = arith.constant 0 : i32
      %dma_wait3A_573 = tpu.memref_slice %arg4[%add3A_571, %dma_wait3A_572] : memref<819200x128xf32, #tpu.memory_space<hbm>> -> memref<64x128xf32, #tpu.memory_space<hbm>>
      %dma_wait3A_574 = arith.constant 0 : i32
      %dma_wait3A_575 = tpu.memref_slice %arg4[%add3A_571, %dma_wait3A_574] : memref<819200x128xf32, #tpu.memory_space<hbm>> -> memref<64x128xf32, #tpu.memory_space<hbm>>
      tpu.wait_dma2 semaphore(%arg35 : memref<!tpu.dma_semaphore, #tpu.memory_space<semaphore_mem>>) src(%arg15 : memref<64x128xf32, #tpu.memory_space<vmem>>) dst(%dma_wait3A_575 : memref<64x128xf32, #tpu.memory_space<hbm>>)
      %add3A_576 = arith.constant 5 : i32
      %add3A_577 = arith.addi %add3A_553, %add3A_576 : i32
      %mul3A_578 = arith.constant 64 : i32
      %mul3A_579 = arith.muli %add3A_577, %mul3A_578 : i32
      %dma_start3A_580 = tpu.memref_slice %arg5[%mul3A_579] : memref<25600xi32, #tpu.memory_space<vmem>> -> memref<64xi32, #tpu.memory_space<vmem>>
      %dma_start3A_581 = arith.constant 0 : i32
      %dma_start3A_582 = arith.constant 0 : i32
      %dma_start3A_583 = tpu.memref_slice %arg6[%dma_start3A_581, %dma_start3A_582] : memref<51x128xf32, #tpu.memory_space<vmem_shared>> -> memref<51x128xf32, #tpu.memory_space<vmem_shared>>
      tpu.enqueue_indirect_dma source(%dma_start3A_583 : memref<51x128xf32, #tpu.memory_space<vmem_shared>>) target(%arg15 : memref<64x128xf32, #tpu.memory_space<vmem>>) offsets(%dma_start3A_580 : memref<64xi32, #tpu.memory_space<vmem>>) semaphore(%arg25 : memref<!tpu.dma_semaphore, #tpu.memory_space<semaphore_mem>>)
      %mul3A_584 = arith.constant 10 : i32
      %mul3A_585 = arith.muli %scan3A_448, %mul3A_584 : i32
      %add3A_586 = arith.constant 4 : i32
      %add3A_587 = arith.addi %mul3A_585, %add3A_586 : i32
      %mul3A_588 = arith.constant 64 : i32
      %mul3A_589 = arith.muli %add3A_587, %mul3A_588 : i32
      %dma_wait3A_590 = tpu.memref_slice %arg5[%mul3A_589] : memref<25600xi32, #tpu.memory_space<vmem>> -> memref<64xi32, #tpu.memory_space<vmem>>
      %dma_wait3A_591 = arith.constant 0 : i32
      %dma_wait3A_592 = arith.constant 0 : i32
      %dma_wait3A_593 = tpu.memref_slice %arg6[%dma_wait3A_591, %dma_wait3A_592] : memref<51x128xf32, #tpu.memory_space<vmem_shared>> -> memref<51x128xf32, #tpu.memory_space<vmem_shared>>
      tpu.wait_indirect_dma semaphore(%arg21 : memref<!tpu.dma_semaphore, #tpu.memory_space<semaphore_mem>>) src(%dma_wait3A_593 : memref<51x128xf32, #tpu.memory_space<vmem_shared>>) dst(%arg11 : memref<64x128xf32, #tpu.memory_space<vmem>>)
      %mul3A_594 = arith.constant 64 : i32
      %mul3A_595 = arith.muli %add3A_587, %mul3A_594 : i32
      %add3A_596 = arith.addi %mul3A_2, %mul3A_595 : i32
      %dma_start3A_597 = arith.constant 0 : i32
      %dma_start3A_598 = tpu.memref_slice %arg4[%add3A_596, %dma_start3A_597] : memref<819200x128xf32, #tpu.memory_space<hbm>> -> memref<64x128xf32, #tpu.memory_space<hbm>>
      %dma_start3A_599 = arith.constant 0 : i32
      %dma_start3A_600 = tpu.memref_slice %arg4[%add3A_596, %dma_start3A_599] : memref<819200x128xf32, #tpu.memory_space<hbm>> -> memref<64x128xf32, #tpu.memory_space<hbm>>
      tpu.enqueue_dma source(%arg11 : memref<64x128xf32, #tpu.memory_space<vmem>>) target(%dma_start3A_600 : memref<64x128xf32, #tpu.memory_space<hbm>>) target_semaphore(%arg31 : memref<!tpu.dma_semaphore, #tpu.memory_space<semaphore_mem>>)
      %sub3A_601 = arith.constant 5 : i32
      %sub3A_602 = arith.subi %add3A_587, %sub3A_601 : i32
      %mul3A_603 = arith.constant 64 : i32
      %mul3A_604 = arith.muli %sub3A_602, %mul3A_603 : i32
      %add3A_605 = arith.addi %mul3A_2, %mul3A_604 : i32
      %dma_wait3A_606 = arith.constant 0 : i32
      %dma_wait3A_607 = tpu.memref_slice %arg4[%add3A_605, %dma_wait3A_606] : memref<819200x128xf32, #tpu.memory_space<hbm>> -> memref<64x128xf32, #tpu.memory_space<hbm>>
      %dma_wait3A_608 = arith.constant 0 : i32
      %dma_wait3A_609 = tpu.memref_slice %arg4[%add3A_605, %dma_wait3A_608] : memref<819200x128xf32, #tpu.memory_space<hbm>> -> memref<64x128xf32, #tpu.memory_space<hbm>>
      tpu.wait_dma2 semaphore(%arg36 : memref<!tpu.dma_semaphore, #tpu.memory_space<semaphore_mem>>) src(%arg16 : memref<64x128xf32, #tpu.memory_space<vmem>>) dst(%dma_wait3A_609 : memref<64x128xf32, #tpu.memory_space<hbm>>)
      %add3A_610 = arith.constant 5 : i32
      %add3A_611 = arith.addi %add3A_587, %add3A_610 : i32
      %mul3A_612 = arith.constant 64 : i32
      %mul3A_613 = arith.muli %add3A_611, %mul3A_612 : i32
      %dma_start3A_614 = tpu.memref_slice %arg5[%mul3A_613] : memref<25600xi32, #tpu.memory_space<vmem>> -> memref<64xi32, #tpu.memory_space<vmem>>
      %dma_start3A_615 = arith.constant 0 : i32
      %dma_start3A_616 = arith.constant 0 : i32
      %dma_start3A_617 = tpu.memref_slice %arg6[%dma_start3A_615, %dma_start3A_616] : memref<51x128xf32, #tpu.memory_space<vmem_shared>> -> memref<51x128xf32, #tpu.memory_space<vmem_shared>>
      tpu.enqueue_indirect_dma source(%dma_start3A_617 : memref<51x128xf32, #tpu.memory_space<vmem_shared>>) target(%arg16 : memref<64x128xf32, #tpu.memory_space<vmem>>) offsets(%dma_start3A_614 : memref<64xi32, #tpu.memory_space<vmem>>) semaphore(%arg26 : memref<!tpu.dma_semaphore, #tpu.memory_space<semaphore_mem>>)
      %mul3A_618 = arith.constant 10 : i32
      %mul3A_619 = arith.muli %scan3A_448, %mul3A_618 : i32
      %add3A_620 = arith.constant 5 : i32
      %add3A_621 = arith.addi %mul3A_619, %add3A_620 : i32
      %mul3A_622 = arith.constant 64 : i32
      %mul3A_623 = arith.muli %add3A_621, %mul3A_622 : i32
      %dma_wait3A_624 = tpu.memref_slice %arg5[%mul3A_623] : memref<25600xi32, #tpu.memory_space<vmem>> -> memref<64xi32, #tpu.memory_space<vmem>>
      %dma_wait3A_625 = arith.constant 0 : i32
      %dma_wait3A_626 = arith.constant 0 : i32
      %dma_wait3A_627 = tpu.memref_slice %arg6[%dma_wait3A_625, %dma_wait3A_626] : memref<51x128xf32, #tpu.memory_space<vmem_shared>> -> memref<51x128xf32, #tpu.memory_space<vmem_shared>>
      tpu.wait_indirect_dma semaphore(%arg22 : memref<!tpu.dma_semaphore, #tpu.memory_space<semaphore_mem>>) src(%dma_wait3A_627 : memref<51x128xf32, #tpu.memory_space<vmem_shared>>) dst(%arg12 : memref<64x128xf32, #tpu.memory_space<vmem>>)
      %mul3A_628 = arith.constant 64 : i32
      %mul3A_629 = arith.muli %add3A_621, %mul3A_628 : i32
      %add3A_630 = arith.addi %mul3A_2, %mul3A_629 : i32
      %dma_start3A_631 = arith.constant 0 : i32
      %dma_start3A_632 = tpu.memref_slice %arg4[%add3A_630, %dma_start3A_631] : memref<819200x128xf32, #tpu.memory_space<hbm>> -> memref<64x128xf32, #tpu.memory_space<hbm>>
      %dma_start3A_633 = arith.constant 0 : i32
      %dma_start3A_634 = tpu.memref_slice %arg4[%add3A_630, %dma_start3A_633] : memref<819200x128xf32, #tpu.memory_space<hbm>> -> memref<64x128xf32, #tpu.memory_space<hbm>>
      tpu.enqueue_dma source(%arg12 : memref<64x128xf32, #tpu.memory_space<vmem>>) target(%dma_start3A_634 : memref<64x128xf32, #tpu.memory_space<hbm>>) target_semaphore(%arg32 : memref<!tpu.dma_semaphore, #tpu.memory_space<semaphore_mem>>)
      %sub3A_635 = arith.constant 5 : i32
      %sub3A_636 = arith.subi %add3A_621, %sub3A_635 : i32
      %mul3A_637 = arith.constant 64 : i32
      %mul3A_638 = arith.muli %sub3A_636, %mul3A_637 : i32
      %add3A_639 = arith.addi %mul3A_2, %mul3A_638 : i32
      %dma_wait3A_640 = arith.constant 0 : i32
      %dma_wait3A_641 = tpu.memref_slice %arg4[%add3A_639, %dma_wait3A_640] : memref<819200x128xf32, #tpu.memory_space<hbm>> -> memref<64x128xf32, #tpu.memory_space<hbm>>
      %dma_wait3A_642 = arith.constant 0 : i32
      %dma_wait3A_643 = tpu.memref_slice %arg4[%add3A_639, %dma_wait3A_642] : memref<819200x128xf32, #tpu.memory_space<hbm>> -> memref<64x128xf32, #tpu.memory_space<hbm>>
      tpu.wait_dma2 semaphore(%arg27 : memref<!tpu.dma_semaphore, #tpu.memory_space<semaphore_mem>>) src(%arg7 : memref<64x128xf32, #tpu.memory_space<vmem>>) dst(%dma_wait3A_643 : memref<64x128xf32, #tpu.memory_space<hbm>>)
      %add3A_644 = arith.constant 5 : i32
      %add3A_645 = arith.addi %add3A_621, %add3A_644 : i32
      %mul3A_646 = arith.constant 64 : i32
      %mul3A_647 = arith.muli %add3A_645, %mul3A_646 : i32
      %dma_start3A_648 = tpu.memref_slice %arg5[%mul3A_647] : memref<25600xi32, #tpu.memory_space<vmem>> -> memref<64xi32, #tpu.memory_space<vmem>>
      %dma_start3A_649 = arith.constant 0 : i32
      %dma_start3A_650 = arith.constant 0 : i32
      %dma_start3A_651 = tpu.memref_slice %arg6[%dma_start3A_649, %dma_start3A_650] : memref<51x128xf32, #tpu.memory_space<vmem_shared>> -> memref<51x128xf32, #tpu.memory_space<vmem_shared>>
      tpu.enqueue_indirect_dma source(%dma_start3A_651 : memref<51x128xf32, #tpu.memory_space<vmem_shared>>) target(%arg7 : memref<64x128xf32, #tpu.memory_space<vmem>>) offsets(%dma_start3A_648 : memref<64xi32, #tpu.memory_space<vmem>>) semaphore(%arg17 : memref<!tpu.dma_semaphore, #tpu.memory_space<semaphore_mem>>)
      %mul3A_652 = arith.constant 10 : i32
      %mul3A_653 = arith.muli %scan3A_448, %mul3A_652 : i32
      %add3A_654 = arith.constant 6 : i32
      %add3A_655 = arith.addi %mul3A_653, %add3A_654 : i32
      %mul3A_656 = arith.constant 64 : i32
      %mul3A_657 = arith.muli %add3A_655, %mul3A_656 : i32
      %dma_wait3A_658 = tpu.memref_slice %arg5[%mul3A_657] : memref<25600xi32, #tpu.memory_space<vmem>> -> memref<64xi32, #tpu.memory_space<vmem>>
      %dma_wait3A_659 = arith.constant 0 : i32
      %dma_wait3A_660 = arith.constant 0 : i32
      %dma_wait3A_661 = tpu.memref_slice %arg6[%dma_wait3A_659, %dma_wait3A_660] : memref<51x128xf32, #tpu.memory_space<vmem_shared>> -> memref<51x128xf32, #tpu.memory_space<vmem_shared>>
      tpu.wait_indirect_dma semaphore(%arg23 : memref<!tpu.dma_semaphore, #tpu.memory_space<semaphore_mem>>) src(%dma_wait3A_661 : memref<51x128xf32, #tpu.memory_space<vmem_shared>>) dst(%arg13 : memref<64x128xf32, #tpu.memory_space<vmem>>)
      %mul3A_662 = arith.constant 64 : i32
      %mul3A_663 = arith.muli %add3A_655, %mul3A_662 : i32
      %add3A_664 = arith.addi %mul3A_2, %mul3A_663 : i32
      %dma_start3A_665 = arith.constant 0 : i32
      %dma_start3A_666 = tpu.memref_slice %arg4[%add3A_664, %dma_start3A_665] : memref<819200x128xf32, #tpu.memory_space<hbm>> -> memref<64x128xf32, #tpu.memory_space<hbm>>
      %dma_start3A_667 = arith.constant 0 : i32
      %dma_start3A_668 = tpu.memref_slice %arg4[%add3A_664, %dma_start3A_667] : memref<819200x128xf32, #tpu.memory_space<hbm>> -> memref<64x128xf32, #tpu.memory_space<hbm>>
      tpu.enqueue_dma source(%arg13 : memref<64x128xf32, #tpu.memory_space<vmem>>) target(%dma_start3A_668 : memref<64x128xf32, #tpu.memory_space<hbm>>) target_semaphore(%arg33 : memref<!tpu.dma_semaphore, #tpu.memory_space<semaphore_mem>>)
      %sub3A_669 = arith.constant 5 : i32
      %sub3A_670 = arith.subi %add3A_655, %sub3A_669 : i32
      %mul3A_671 = arith.constant 64 : i32
      %mul3A_672 = arith.muli %sub3A_670, %mul3A_671 : i32
      %add3A_673 = arith.addi %mul3A_2, %mul3A_672 : i32
      %dma_wait3A_674 = arith.constant 0 : i32
      %dma_wait3A_675 = tpu.memref_slice %arg4[%add3A_673, %dma_wait3A_674] : memref<819200x128xf32, #tpu.memory_space<hbm>> -> memref<64x128xf32, #tpu.memory_space<hbm>>
      %dma_wait3A_676 = arith.constant 0 : i32
      %dma_wait3A_677 = tpu.memref_slice %arg4[%add3A_673, %dma_wait3A_676] : memref<819200x128xf32, #tpu.memory_space<hbm>> -> memref<64x128xf32, #tpu.memory_space<hbm>>
      tpu.wait_dma2 semaphore(%arg28 : memref<!tpu.dma_semaphore, #tpu.memory_space<semaphore_mem>>) src(%arg8 : memref<64x128xf32, #tpu.memory_space<vmem>>) dst(%dma_wait3A_677 : memref<64x128xf32, #tpu.memory_space<hbm>>)
      %add3A_678 = arith.constant 5 : i32
      %add3A_679 = arith.addi %add3A_655, %add3A_678 : i32
      %mul3A_680 = arith.constant 64 : i32
      %mul3A_681 = arith.muli %add3A_679, %mul3A_680 : i32
      %dma_start3A_682 = tpu.memref_slice %arg5[%mul3A_681] : memref<25600xi32, #tpu.memory_space<vmem>> -> memref<64xi32, #tpu.memory_space<vmem>>
      %dma_start3A_683 = arith.constant 0 : i32
      %dma_start3A_684 = arith.constant 0 : i32
      %dma_start3A_685 = tpu.memref_slice %arg6[%dma_start3A_683, %dma_start3A_684] : memref<51x128xf32, #tpu.memory_space<vmem_shared>> -> memref<51x128xf32, #tpu.memory_space<vmem_shared>>
      tpu.enqueue_indirect_dma source(%dma_start3A_685 : memref<51x128xf32, #tpu.memory_space<vmem_shared>>) target(%arg8 : memref<64x128xf32, #tpu.memory_space<vmem>>) offsets(%dma_start3A_682 : memref<64xi32, #tpu.memory_space<vmem>>) semaphore(%arg18 : memref<!tpu.dma_semaphore, #tpu.memory_space<semaphore_mem>>)
      %mul3A_686 = arith.constant 10 : i32
      %mul3A_687 = arith.muli %scan3A_448, %mul3A_686 : i32
      %add3A_688 = arith.constant 7 : i32
      %add3A_689 = arith.addi %mul3A_687, %add3A_688 : i32
      %mul3A_690 = arith.constant 64 : i32
      %mul3A_691 = arith.muli %add3A_689, %mul3A_690 : i32
      %dma_wait3A_692 = tpu.memref_slice %arg5[%mul3A_691] : memref<25600xi32, #tpu.memory_space<vmem>> -> memref<64xi32, #tpu.memory_space<vmem>>
      %dma_wait3A_693 = arith.constant 0 : i32
      %dma_wait3A_694 = arith.constant 0 : i32
      %dma_wait3A_695 = tpu.memref_slice %arg6[%dma_wait3A_693, %dma_wait3A_694] : memref<51x128xf32, #tpu.memory_space<vmem_shared>> -> memref<51x128xf32, #tpu.memory_space<vmem_shared>>
      tpu.wait_indirect_dma semaphore(%arg24 : memref<!tpu.dma_semaphore, #tpu.memory_space<semaphore_mem>>) src(%dma_wait3A_695 : memref<51x128xf32, #tpu.memory_space<vmem_shared>>) dst(%arg14 : memref<64x128xf32, #tpu.memory_space<vmem>>)
      %mul3A_696 = arith.constant 64 : i32
      %mul3A_697 = arith.muli %add3A_689, %mul3A_696 : i32
      %add3A_698 = arith.addi %mul3A_2, %mul3A_697 : i32
      %dma_start3A_699 = arith.constant 0 : i32
      %dma_start3A_700 = tpu.memref_slice %arg4[%add3A_698, %dma_start3A_699] : memref<819200x128xf32, #tpu.memory_space<hbm>> -> memref<64x128xf32, #tpu.memory_space<hbm>>
      %dma_start3A_701 = arith.constant 0 : i32
      %dma_start3A_702 = tpu.memref_slice %arg4[%add3A_698, %dma_start3A_701] : memref<819200x128xf32, #tpu.memory_space<hbm>> -> memref<64x128xf32, #tpu.memory_space<hbm>>
      tpu.enqueue_dma source(%arg14 : memref<64x128xf32, #tpu.memory_space<vmem>>) target(%dma_start3A_702 : memref<64x128xf32, #tpu.memory_space<hbm>>) target_semaphore(%arg34 : memref<!tpu.dma_semaphore, #tpu.memory_space<semaphore_mem>>)
      %sub3A_703 = arith.constant 5 : i32
      %sub3A_704 = arith.subi %add3A_689, %sub3A_703 : i32
      %mul3A_705 = arith.constant 64 : i32
      %mul3A_706 = arith.muli %sub3A_704, %mul3A_705 : i32
      %add3A_707 = arith.addi %mul3A_2, %mul3A_706 : i32
      %dma_wait3A_708 = arith.constant 0 : i32
      %dma_wait3A_709 = tpu.memref_slice %arg4[%add3A_707, %dma_wait3A_708] : memref<819200x128xf32, #tpu.memory_space<hbm>> -> memref<64x128xf32, #tpu.memory_space<hbm>>
      %dma_wait3A_710 = arith.constant 0 : i32
      %dma_wait3A_711 = tpu.memref_slice %arg4[%add3A_707, %dma_wait3A_710] : memref<819200x128xf32, #tpu.memory_space<hbm>> -> memref<64x128xf32, #tpu.memory_space<hbm>>
      tpu.wait_dma2 semaphore(%arg29 : memref<!tpu.dma_semaphore, #tpu.memory_space<semaphore_mem>>) src(%arg9 : memref<64x128xf32, #tpu.memory_space<vmem>>) dst(%dma_wait3A_711 : memref<64x128xf32, #tpu.memory_space<hbm>>)
      %add3A_712 = arith.constant 5 : i32
      %add3A_713 = arith.addi %add3A_689, %add3A_712 : i32
      %mul3A_714 = arith.constant 64 : i32
      %mul3A_715 = arith.muli %add3A_713, %mul3A_714 : i32
      %dma_start3A_716 = tpu.memref_slice %arg5[%mul3A_715] : memref<25600xi32, #tpu.memory_space<vmem>> -> memref<64xi32, #tpu.memory_space<vmem>>
      %dma_start3A_717 = arith.constant 0 : i32
      %dma_start3A_718 = arith.constant 0 : i32
      %dma_start3A_719 = tpu.memref_slice %arg6[%dma_start3A_717, %dma_start3A_718] : memref<51x128xf32, #tpu.memory_space<vmem_shared>> -> memref<51x128xf32, #tpu.memory_space<vmem_shared>>
      tpu.enqueue_indirect_dma source(%dma_start3A_719 : memref<51x128xf32, #tpu.memory_space<vmem_shared>>) target(%arg9 : memref<64x128xf32, #tpu.memory_space<vmem>>) offsets(%dma_start3A_716 : memref<64xi32, #tpu.memory_space<vmem>>) semaphore(%arg19 : memref<!tpu.dma_semaphore, #tpu.memory_space<semaphore_mem>>)
      %mul3A_720 = arith.constant 10 : i32
      %mul3A_721 = arith.muli %scan3A_448, %mul3A_720 : i32
      %add3A_722 = arith.constant 8 : i32
      %add3A_723 = arith.addi %mul3A_721, %add3A_722 : i32
      %mul3A_724 = arith.constant 64 : i32
      %mul3A_725 = arith.muli %add3A_723, %mul3A_724 : i32
      %dma_wait3A_726 = tpu.memref_slice %arg5[%mul3A_725] : memref<25600xi32, #tpu.memory_space<vmem>> -> memref<64xi32, #tpu.memory_space<vmem>>
      %dma_wait3A_727 = arith.constant 0 : i32
      %dma_wait3A_728 = arith.constant 0 : i32
      %dma_wait3A_729 = tpu.memref_slice %arg6[%dma_wait3A_727, %dma_wait3A_728] : memref<51x128xf32, #tpu.memory_space<vmem_shared>> -> memref<51x128xf32, #tpu.memory_space<vmem_shared>>
      tpu.wait_indirect_dma semaphore(%arg25 : memref<!tpu.dma_semaphore, #tpu.memory_space<semaphore_mem>>) src(%dma_wait3A_729 : memref<51x128xf32, #tpu.memory_space<vmem_shared>>) dst(%arg15 : memref<64x128xf32, #tpu.memory_space<vmem>>)
      %mul3A_730 = arith.constant 64 : i32
      %mul3A_731 = arith.muli %add3A_723, %mul3A_730 : i32
      %add3A_732 = arith.addi %mul3A_2, %mul3A_731 : i32
      %dma_start3A_733 = arith.constant 0 : i32
      %dma_start3A_734 = tpu.memref_slice %arg4[%add3A_732, %dma_start3A_733] : memref<819200x128xf32, #tpu.memory_space<hbm>> -> memref<64x128xf32, #tpu.memory_space<hbm>>
      %dma_start3A_735 = arith.constant 0 : i32
      %dma_start3A_736 = tpu.memref_slice %arg4[%add3A_732, %dma_start3A_735] : memref<819200x128xf32, #tpu.memory_space<hbm>> -> memref<64x128xf32, #tpu.memory_space<hbm>>
      tpu.enqueue_dma source(%arg15 : memref<64x128xf32, #tpu.memory_space<vmem>>) target(%dma_start3A_736 : memref<64x128xf32, #tpu.memory_space<hbm>>) target_semaphore(%arg35 : memref<!tpu.dma_semaphore, #tpu.memory_space<semaphore_mem>>)
      %sub3A_737 = arith.constant 5 : i32
      %sub3A_738 = arith.subi %add3A_723, %sub3A_737 : i32
      %mul3A_739 = arith.constant 64 : i32
      %mul3A_740 = arith.muli %sub3A_738, %mul3A_739 : i32
      %add3A_741 = arith.addi %mul3A_2, %mul3A_740 : i32
      %dma_wait3A_742 = arith.constant 0 : i32
      %dma_wait3A_743 = tpu.memref_slice %arg4[%add3A_741, %dma_wait3A_742] : memref<819200x128xf32, #tpu.memory_space<hbm>> -> memref<64x128xf32, #tpu.memory_space<hbm>>
      %dma_wait3A_744 = arith.constant 0 : i32
      %dma_wait3A_745 = tpu.memref_slice %arg4[%add3A_741, %dma_wait3A_744] : memref<819200x128xf32, #tpu.memory_space<hbm>> -> memref<64x128xf32, #tpu.memory_space<hbm>>
      tpu.wait_dma2 semaphore(%arg30 : memref<!tpu.dma_semaphore, #tpu.memory_space<semaphore_mem>>) src(%arg10 : memref<64x128xf32, #tpu.memory_space<vmem>>) dst(%dma_wait3A_745 : memref<64x128xf32, #tpu.memory_space<hbm>>)
      %add3A_746 = arith.constant 5 : i32
      %add3A_747 = arith.addi %add3A_723, %add3A_746 : i32
      %mul3A_748 = arith.constant 64 : i32
      %mul3A_749 = arith.muli %add3A_747, %mul3A_748 : i32
      %dma_start3A_750 = tpu.memref_slice %arg5[%mul3A_749] : memref<25600xi32, #tpu.memory_space<vmem>> -> memref<64xi32, #tpu.memory_space<vmem>>
      %dma_start3A_751 = arith.constant 0 : i32
      %dma_start3A_752 = arith.constant 0 : i32
      %dma_start3A_753 = tpu.memref_slice %arg6[%dma_start3A_751, %dma_start3A_752] : memref<51x128xf32, #tpu.memory_space<vmem_shared>> -> memref<51x128xf32, #tpu.memory_space<vmem_shared>>
      tpu.enqueue_indirect_dma source(%dma_start3A_753 : memref<51x128xf32, #tpu.memory_space<vmem_shared>>) target(%arg10 : memref<64x128xf32, #tpu.memory_space<vmem>>) offsets(%dma_start3A_750 : memref<64xi32, #tpu.memory_space<vmem>>) semaphore(%arg20 : memref<!tpu.dma_semaphore, #tpu.memory_space<semaphore_mem>>)
      %mul3A_754 = arith.constant 10 : i32
      %mul3A_755 = arith.muli %scan3A_448, %mul3A_754 : i32
      %add3A_756 = arith.constant 9 : i32
      %add3A_757 = arith.addi %mul3A_755, %add3A_756 : i32
      %mul3A_758 = arith.constant 64 : i32
      %mul3A_759 = arith.muli %add3A_757, %mul3A_758 : i32
      %dma_wait3A_760 = tpu.memref_slice %arg5[%mul3A_759] : memref<25600xi32, #tpu.memory_space<vmem>> -> memref<64xi32, #tpu.memory_space<vmem>>
      %dma_wait3A_761 = arith.constant 0 : i32
      %dma_wait3A_762 = arith.constant 0 : i32
      %dma_wait3A_763 = tpu.memref_slice %arg6[%dma_wait3A_761, %dma_wait3A_762] : memref<51x128xf32, #tpu.memory_space<vmem_shared>> -> memref<51x128xf32, #tpu.memory_space<vmem_shared>>
      tpu.wait_indirect_dma semaphore(%arg26 : memref<!tpu.dma_semaphore, #tpu.memory_space<semaphore_mem>>) src(%dma_wait3A_763 : memref<51x128xf32, #tpu.memory_space<vmem_shared>>) dst(%arg16 : memref<64x128xf32, #tpu.memory_space<vmem>>)
      %mul3A_764 = arith.constant 64 : i32
      %mul3A_765 = arith.muli %add3A_757, %mul3A_764 : i32
      %add3A_766 = arith.addi %mul3A_2, %mul3A_765 : i32
      %dma_start3A_767 = arith.constant 0 : i32
      %dma_start3A_768 = tpu.memref_slice %arg4[%add3A_766, %dma_start3A_767] : memref<819200x128xf32, #tpu.memory_space<hbm>> -> memref<64x128xf32, #tpu.memory_space<hbm>>
      %dma_start3A_769 = arith.constant 0 : i32
      %dma_start3A_770 = tpu.memref_slice %arg4[%add3A_766, %dma_start3A_769] : memref<819200x128xf32, #tpu.memory_space<hbm>> -> memref<64x128xf32, #tpu.memory_space<hbm>>
      tpu.enqueue_dma source(%arg16 : memref<64x128xf32, #tpu.memory_space<vmem>>) target(%dma_start3A_770 : memref<64x128xf32, #tpu.memory_space<hbm>>) target_semaphore(%arg36 : memref<!tpu.dma_semaphore, #tpu.memory_space<semaphore_mem>>)
      %sub3A_771 = arith.constant 5 : i32
      %sub3A_772 = arith.subi %add3A_757, %sub3A_771 : i32
      %mul3A_773 = arith.constant 64 : i32
      %mul3A_774 = arith.muli %sub3A_772, %mul3A_773 : i32
      %add3A_775 = arith.addi %mul3A_2, %mul3A_774 : i32
      %dma_wait3A_776 = arith.constant 0 : i32
      %dma_wait3A_777 = tpu.memref_slice %arg4[%add3A_775, %dma_wait3A_776] : memref<819200x128xf32, #tpu.memory_space<hbm>> -> memref<64x128xf32, #tpu.memory_space<hbm>>
      %dma_wait3A_778 = arith.constant 0 : i32
      %dma_wait3A_779 = tpu.memref_slice %arg4[%add3A_775, %dma_wait3A_778] : memref<819200x128xf32, #tpu.memory_space<hbm>> -> memref<64x128xf32, #tpu.memory_space<hbm>>
      tpu.wait_dma2 semaphore(%arg31 : memref<!tpu.dma_semaphore, #tpu.memory_space<semaphore_mem>>) src(%arg11 : memref<64x128xf32, #tpu.memory_space<vmem>>) dst(%dma_wait3A_779 : memref<64x128xf32, #tpu.memory_space<hbm>>)
      %add3A_780 = arith.constant 5 : i32
      %add3A_781 = arith.addi %add3A_757, %add3A_780 : i32
      %mul3A_782 = arith.constant 64 : i32
      %mul3A_783 = arith.muli %add3A_781, %mul3A_782 : i32
      %dma_start3A_784 = tpu.memref_slice %arg5[%mul3A_783] : memref<25600xi32, #tpu.memory_space<vmem>> -> memref<64xi32, #tpu.memory_space<vmem>>
      %dma_start3A_785 = arith.constant 0 : i32
      %dma_start3A_786 = arith.constant 0 : i32
      %dma_start3A_787 = tpu.memref_slice %arg6[%dma_start3A_785, %dma_start3A_786] : memref<51x128xf32, #tpu.memory_space<vmem_shared>> -> memref<51x128xf32, #tpu.memory_space<vmem_shared>>
      tpu.enqueue_indirect_dma source(%dma_start3A_787 : memref<51x128xf32, #tpu.memory_space<vmem_shared>>) target(%arg11 : memref<64x128xf32, #tpu.memory_space<vmem>>) offsets(%dma_start3A_784 : memref<64xi32, #tpu.memory_space<vmem>>) semaphore(%arg21 : memref<!tpu.dma_semaphore, #tpu.memory_space<semaphore_mem>>)
    }
    %scan3A_222 = arith.constant 38 : i32
    %dma_wait3A_223 = arith.constant 24960 : i32
    %dma_wait3A_224 = tpu.memref_slice %arg5[%dma_wait3A_223] : memref<25600xi32, #tpu.memory_space<vmem>> -> memref<64xi32, #tpu.memory_space<vmem>>
    %dma_wait3A_225 = arith.constant 0 : i32
    %dma_wait3A_226 = arith.constant 0 : i32
    %dma_wait3A_227 = tpu.memref_slice %arg6[%dma_wait3A_225, %dma_wait3A_226] : memref<51x128xf32, #tpu.memory_space<vmem_shared>> -> memref<51x128xf32, #tpu.memory_space<vmem_shared>>
    tpu.wait_indirect_dma semaphore(%arg17 : memref<!tpu.dma_semaphore, #tpu.memory_space<semaphore_mem>>) src(%dma_wait3A_227 : memref<51x128xf32, #tpu.memory_space<vmem_shared>>) dst(%arg7 : memref<64x128xf32, #tpu.memory_space<vmem>>)
    %add3A_228 = arith.constant 24960 : i32
    %add3A_229 = arith.addi %mul3A_2, %add3A_228 : i32
    %dma_start3A_230 = arith.constant 0 : i32
    %dma_start3A_231 = tpu.memref_slice %arg4[%add3A_229, %dma_start3A_230] : memref<819200x128xf32, #tpu.memory_space<hbm>> -> memref<64x128xf32, #tpu.memory_space<hbm>>
    %dma_start3A_232 = arith.constant 0 : i32
    %dma_start3A_233 = tpu.memref_slice %arg4[%add3A_229, %dma_start3A_232] : memref<819200x128xf32, #tpu.memory_space<hbm>> -> memref<64x128xf32, #tpu.memory_space<hbm>>
    tpu.enqueue_dma source(%arg7 : memref<64x128xf32, #tpu.memory_space<vmem>>) target(%dma_start3A_233 : memref<64x128xf32, #tpu.memory_space<hbm>>) target_semaphore(%arg27 : memref<!tpu.dma_semaphore, #tpu.memory_space<semaphore_mem>>)
    %add3A_234 = arith.constant 24640 : i32
    %add3A_235 = arith.addi %mul3A_2, %add3A_234 : i32
    %dma_wait3A_236 = arith.constant 0 : i32
    %dma_wait3A_237 = tpu.memref_slice %arg4[%add3A_235, %dma_wait3A_236] : memref<819200x128xf32, #tpu.memory_space<hbm>> -> memref<64x128xf32, #tpu.memory_space<hbm>>
    %dma_wait3A_238 = arith.constant 0 : i32
    %dma_wait3A_239 = tpu.memref_slice %arg4[%add3A_235, %dma_wait3A_238] : memref<819200x128xf32, #tpu.memory_space<hbm>> -> memref<64x128xf32, #tpu.memory_space<hbm>>
    tpu.wait_dma2 semaphore(%arg32 : memref<!tpu.dma_semaphore, #tpu.memory_space<semaphore_mem>>) src(%arg12 : memref<64x128xf32, #tpu.memory_space<vmem>>) dst(%dma_wait3A_239 : memref<64x128xf32, #tpu.memory_space<hbm>>)
    %dma_start3A_240 = arith.constant 25280 : i32
    %dma_start3A_241 = tpu.memref_slice %arg5[%dma_start3A_240] : memref<25600xi32, #tpu.memory_space<vmem>> -> memref<64xi32, #tpu.memory_space<vmem>>
    %dma_start3A_242 = arith.constant 0 : i32
    %dma_start3A_243 = arith.constant 0 : i32
    %dma_start3A_244 = tpu.memref_slice %arg6[%dma_start3A_242, %dma_start3A_243] : memref<51x128xf32, #tpu.memory_space<vmem_shared>> -> memref<51x128xf32, #tpu.memory_space<vmem_shared>>
    tpu.enqueue_indirect_dma source(%dma_start3A_244 : memref<51x128xf32, #tpu.memory_space<vmem_shared>>) target(%arg12 : memref<64x128xf32, #tpu.memory_space<vmem>>) offsets(%dma_start3A_241 : memref<64xi32, #tpu.memory_space<vmem>>) semaphore(%arg22 : memref<!tpu.dma_semaphore, #tpu.memory_space<semaphore_mem>>)
    %dma_wait3A_245 = arith.constant 25024 : i32
    %dma_wait3A_246 = tpu.memref_slice %arg5[%dma_wait3A_245] : memref<25600xi32, #tpu.memory_space<vmem>> -> memref<64xi32, #tpu.memory_space<vmem>>
    %dma_wait3A_247 = arith.constant 0 : i32
    %dma_wait3A_248 = arith.constant 0 : i32
    %dma_wait3A_249 = tpu.memref_slice %arg6[%dma_wait3A_247, %dma_wait3A_248] : memref<51x128xf32, #tpu.memory_space<vmem_shared>> -> memref<51x128xf32, #tpu.memory_space<vmem_shared>>
    tpu.wait_indirect_dma semaphore(%arg18 : memref<!tpu.dma_semaphore, #tpu.memory_space<semaphore_mem>>) src(%dma_wait3A_249 : memref<51x128xf32, #tpu.memory_space<vmem_shared>>) dst(%arg8 : memref<64x128xf32, #tpu.memory_space<vmem>>)
    %add3A_250 = arith.constant 25024 : i32
    %add3A_251 = arith.addi %mul3A_2, %add3A_250 : i32
    %dma_start3A_252 = arith.constant 0 : i32
    %dma_start3A_253 = tpu.memref_slice %arg4[%add3A_251, %dma_start3A_252] : memref<819200x128xf32, #tpu.memory_space<hbm>> -> memref<64x128xf32, #tpu.memory_space<hbm>>
    %dma_start3A_254 = arith.constant 0 : i32
    %dma_start3A_255 = tpu.memref_slice %arg4[%add3A_251, %dma_start3A_254] : memref<819200x128xf32, #tpu.memory_space<hbm>> -> memref<64x128xf32, #tpu.memory_space<hbm>>
    tpu.enqueue_dma source(%arg8 : memref<64x128xf32, #tpu.memory_space<vmem>>) target(%dma_start3A_255 : memref<64x128xf32, #tpu.memory_space<hbm>>) target_semaphore(%arg28 : memref<!tpu.dma_semaphore, #tpu.memory_space<semaphore_mem>>)
    %add3A_256 = arith.constant 24704 : i32
    %add3A_257 = arith.addi %mul3A_2, %add3A_256 : i32
    %dma_wait3A_258 = arith.constant 0 : i32
    %dma_wait3A_259 = tpu.memref_slice %arg4[%add3A_257, %dma_wait3A_258] : memref<819200x128xf32, #tpu.memory_space<hbm>> -> memref<64x128xf32, #tpu.memory_space<hbm>>
    %dma_wait3A_260 = arith.constant 0 : i32
    %dma_wait3A_261 = tpu.memref_slice %arg4[%add3A_257, %dma_wait3A_260] : memref<819200x128xf32, #tpu.memory_space<hbm>> -> memref<64x128xf32, #tpu.memory_space<hbm>>
    tpu.wait_dma2 semaphore(%arg33 : memref<!tpu.dma_semaphore, #tpu.memory_space<semaphore_mem>>) src(%arg13 : memref<64x128xf32, #tpu.memory_space<vmem>>) dst(%dma_wait3A_261 : memref<64x128xf32, #tpu.memory_space<hbm>>)
    %dma_start3A_262 = arith.constant 25344 : i32
    %dma_start3A_263 = tpu.memref_slice %arg5[%dma_start3A_262] : memref<25600xi32, #tpu.memory_space<vmem>> -> memref<64xi32, #tpu.memory_space<vmem>>
    %dma_start3A_264 = arith.constant 0 : i32
    %dma_start3A_265 = arith.constant 0 : i32
    %dma_start3A_266 = tpu.memref_slice %arg6[%dma_start3A_264, %dma_start3A_265] : memref<51x128xf32, #tpu.memory_space<vmem_shared>> -> memref<51x128xf32, #tpu.memory_space<vmem_shared>>
    tpu.enqueue_indirect_dma source(%dma_start3A_266 : memref<51x128xf32, #tpu.memory_space<vmem_shared>>) target(%arg13 : memref<64x128xf32, #tpu.memory_space<vmem>>) offsets(%dma_start3A_263 : memref<64xi32, #tpu.memory_space<vmem>>) semaphore(%arg23 : memref<!tpu.dma_semaphore, #tpu.memory_space<semaphore_mem>>)
    %dma_wait3A_267 = arith.constant 25088 : i32
    %dma_wait3A_268 = tpu.memref_slice %arg5[%dma_wait3A_267] : memref<25600xi32, #tpu.memory_space<vmem>> -> memref<64xi32, #tpu.memory_space<vmem>>
    %dma_wait3A_269 = arith.constant 0 : i32
    %dma_wait3A_270 = arith.constant 0 : i32
    %dma_wait3A_271 = tpu.memref_slice %arg6[%dma_wait3A_269, %dma_wait3A_270] : memref<51x128xf32, #tpu.memory_space<vmem_shared>> -> memref<51x128xf32, #tpu.memory_space<vmem_shared>>
    tpu.wait_indirect_dma semaphore(%arg19 : memref<!tpu.dma_semaphore, #tpu.memory_space<semaphore_mem>>) src(%dma_wait3A_271 : memref<51x128xf32, #tpu.memory_space<vmem_shared>>) dst(%arg9 : memref<64x128xf32, #tpu.memory_space<vmem>>)
    %add3A_272 = arith.constant 25088 : i32
    %add3A_273 = arith.addi %mul3A_2, %add3A_272 : i32
    %dma_start3A_274 = arith.constant 0 : i32
    %dma_start3A_275 = tpu.memref_slice %arg4[%add3A_273, %dma_start3A_274] : memref<819200x128xf32, #tpu.memory_space<hbm>> -> memref<64x128xf32, #tpu.memory_space<hbm>>
    %dma_start3A_276 = arith.constant 0 : i32
    %dma_start3A_277 = tpu.memref_slice %arg4[%add3A_273, %dma_start3A_276] : memref<819200x128xf32, #tpu.memory_space<hbm>> -> memref<64x128xf32, #tpu.memory_space<hbm>>
    tpu.enqueue_dma source(%arg9 : memref<64x128xf32, #tpu.memory_space<vmem>>) target(%dma_start3A_277 : memref<64x128xf32, #tpu.memory_space<hbm>>) target_semaphore(%arg29 : memref<!tpu.dma_semaphore, #tpu.memory_space<semaphore_mem>>)
    %add3A_278 = arith.constant 24768 : i32
    %add3A_279 = arith.addi %mul3A_2, %add3A_278 : i32
    %dma_wait3A_280 = arith.constant 0 : i32
    %dma_wait3A_281 = tpu.memref_slice %arg4[%add3A_279, %dma_wait3A_280] : memref<819200x128xf32, #tpu.memory_space<hbm>> -> memref<64x128xf32, #tpu.memory_space<hbm>>
    %dma_wait3A_282 = arith.constant 0 : i32
    %dma_wait3A_283 = tpu.memref_slice %arg4[%add3A_279, %dma_wait3A_282] : memref<819200x128xf32, #tpu.memory_space<hbm>> -> memref<64x128xf32, #tpu.memory_space<hbm>>
    tpu.wait_dma2 semaphore(%arg34 : memref<!tpu.dma_semaphore, #tpu.memory_space<semaphore_mem>>) src(%arg14 : memref<64x128xf32, #tpu.memory_space<vmem>>) dst(%dma_wait3A_283 : memref<64x128xf32, #tpu.memory_space<hbm>>)
    %dma_start3A_284 = arith.constant 25408 : i32
    %dma_start3A_285 = tpu.memref_slice %arg5[%dma_start3A_284] : memref<25600xi32, #tpu.memory_space<vmem>> -> memref<64xi32, #tpu.memory_space<vmem>>
    %dma_start3A_286 = arith.constant 0 : i32
    %dma_start3A_287 = arith.constant 0 : i32
    %dma_start3A_288 = tpu.memref_slice %arg6[%dma_start3A_286, %dma_start3A_287] : memref<51x128xf32, #tpu.memory_space<vmem_shared>> -> memref<51x128xf32, #tpu.memory_space<vmem_shared>>
    tpu.enqueue_indirect_dma source(%dma_start3A_288 : memref<51x128xf32, #tpu.memory_space<vmem_shared>>) target(%arg14 : memref<64x128xf32, #tpu.memory_space<vmem>>) offsets(%dma_start3A_285 : memref<64xi32, #tpu.memory_space<vmem>>) semaphore(%arg24 : memref<!tpu.dma_semaphore, #tpu.memory_space<semaphore_mem>>)
    %dma_wait3A_289 = arith.constant 25152 : i32
    %dma_wait3A_290 = tpu.memref_slice %arg5[%dma_wait3A_289] : memref<25600xi32, #tpu.memory_space<vmem>> -> memref<64xi32, #tpu.memory_space<vmem>>
    %dma_wait3A_291 = arith.constant 0 : i32
    %dma_wait3A_292 = arith.constant 0 : i32
    %dma_wait3A_293 = tpu.memref_slice %arg6[%dma_wait3A_291, %dma_wait3A_292] : memref<51x128xf32, #tpu.memory_space<vmem_shared>> -> memref<51x128xf32, #tpu.memory_space<vmem_shared>>
    tpu.wait_indirect_dma semaphore(%arg20 : memref<!tpu.dma_semaphore, #tpu.memory_space<semaphore_mem>>) src(%dma_wait3A_293 : memref<51x128xf32, #tpu.memory_space<vmem_shared>>) dst(%arg10 : memref<64x128xf32, #tpu.memory_space<vmem>>)
    %add3A_294 = arith.constant 25152 : i32
    %add3A_295 = arith.addi %mul3A_2, %add3A_294 : i32
    %dma_start3A_296 = arith.constant 0 : i32
    %dma_start3A_297 = tpu.memref_slice %arg4[%add3A_295, %dma_start3A_296] : memref<819200x128xf32, #tpu.memory_space<hbm>> -> memref<64x128xf32, #tpu.memory_space<hbm>>
    %dma_start3A_298 = arith.constant 0 : i32
    %dma_start3A_299 = tpu.memref_slice %arg4[%add3A_295, %dma_start3A_298] : memref<819200x128xf32, #tpu.memory_space<hbm>> -> memref<64x128xf32, #tpu.memory_space<hbm>>
    tpu.enqueue_dma source(%arg10 : memref<64x128xf32, #tpu.memory_space<vmem>>) target(%dma_start3A_299 : memref<64x128xf32, #tpu.memory_space<hbm>>) target_semaphore(%arg30 : memref<!tpu.dma_semaphore, #tpu.memory_space<semaphore_mem>>)
    %add3A_300 = arith.constant 24832 : i32
    %add3A_301 = arith.addi %mul3A_2, %add3A_300 : i32
    %dma_wait3A_302 = arith.constant 0 : i32
    %dma_wait3A_303 = tpu.memref_slice %arg4[%add3A_301, %dma_wait3A_302] : memref<819200x128xf32, #tpu.memory_space<hbm>> -> memref<64x128xf32, #tpu.memory_space<hbm>>
    %dma_wait3A_304 = arith.constant 0 : i32
    %dma_wait3A_305 = tpu.memref_slice %arg4[%add3A_301, %dma_wait3A_304] : memref<819200x128xf32, #tpu.memory_space<hbm>> -> memref<64x128xf32, #tpu.memory_space<hbm>>
    tpu.wait_dma2 semaphore(%arg35 : memref<!tpu.dma_semaphore, #tpu.memory_space<semaphore_mem>>) src(%arg15 : memref<64x128xf32, #tpu.memory_space<vmem>>) dst(%dma_wait3A_305 : memref<64x128xf32, #tpu.memory_space<hbm>>)
    %dma_start3A_306 = arith.constant 25472 : i32
    %dma_start3A_307 = tpu.memref_slice %arg5[%dma_start3A_306] : memref<25600xi32, #tpu.memory_space<vmem>> -> memref<64xi32, #tpu.memory_space<vmem>>
    %dma_start3A_308 = arith.constant 0 : i32
    %dma_start3A_309 = arith.constant 0 : i32
    %dma_start3A_310 = tpu.memref_slice %arg6[%dma_start3A_308, %dma_start3A_309] : memref<51x128xf32, #tpu.memory_space<vmem_shared>> -> memref<51x128xf32, #tpu.memory_space<vmem_shared>>
    tpu.enqueue_indirect_dma source(%dma_start3A_310 : memref<51x128xf32, #tpu.memory_space<vmem_shared>>) target(%arg15 : memref<64x128xf32, #tpu.memory_space<vmem>>) offsets(%dma_start3A_307 : memref<64xi32, #tpu.memory_space<vmem>>) semaphore(%arg25 : memref<!tpu.dma_semaphore, #tpu.memory_space<semaphore_mem>>)
    %dma_wait3A_311 = arith.constant 25216 : i32
    %dma_wait3A_312 = tpu.memref_slice %arg5[%dma_wait3A_311] : memref<25600xi32, #tpu.memory_space<vmem>> -> memref<64xi32, #tpu.memory_space<vmem>>
    %dma_wait3A_313 = arith.constant 0 : i32
    %dma_wait3A_314 = arith.constant 0 : i32
    %dma_wait3A_315 = tpu.memref_slice %arg6[%dma_wait3A_313, %dma_wait3A_314] : memref<51x128xf32, #tpu.memory_space<vmem_shared>> -> memref<51x128xf32, #tpu.memory_space<vmem_shared>>
    tpu.wait_indirect_dma semaphore(%arg21 : memref<!tpu.dma_semaphore, #tpu.memory_space<semaphore_mem>>) src(%dma_wait3A_315 : memref<51x128xf32, #tpu.memory_space<vmem_shared>>) dst(%arg11 : memref<64x128xf32, #tpu.memory_space<vmem>>)
    %add3A_316 = arith.constant 25216 : i32
    %add3A_317 = arith.addi %mul3A_2, %add3A_316 : i32
    %dma_start3A_318 = arith.constant 0 : i32
    %dma_start3A_319 = tpu.memref_slice %arg4[%add3A_317, %dma_start3A_318] : memref<819200x128xf32, #tpu.memory_space<hbm>> -> memref<64x128xf32, #tpu.memory_space<hbm>>
    %dma_start3A_320 = arith.constant 0 : i32
    %dma_start3A_321 = tpu.memref_slice %arg4[%add3A_317, %dma_start3A_320] : memref<819200x128xf32, #tpu.memory_space<hbm>> -> memref<64x128xf32, #tpu.memory_space<hbm>>
    tpu.enqueue_dma source(%arg11 : memref<64x128xf32, #tpu.memory_space<vmem>>) target(%dma_start3A_321 : memref<64x128xf32, #tpu.memory_space<hbm>>) target_semaphore(%arg31 : memref<!tpu.dma_semaphore, #tpu.memory_space<semaphore_mem>>)
    %add3A_322 = arith.constant 24896 : i32
    %add3A_323 = arith.addi %mul3A_2, %add3A_322 : i32
    %dma_wait3A_324 = arith.constant 0 : i32
    %dma_wait3A_325 = tpu.memref_slice %arg4[%add3A_323, %dma_wait3A_324] : memref<819200x128xf32, #tpu.memory_space<hbm>> -> memref<64x128xf32, #tpu.memory_space<hbm>>
    %dma_wait3A_326 = arith.constant 0 : i32
    %dma_wait3A_327 = tpu.memref_slice %arg4[%add3A_323, %dma_wait3A_326] : memref<819200x128xf32, #tpu.memory_space<hbm>> -> memref<64x128xf32, #tpu.memory_space<hbm>>
    tpu.wait_dma2 semaphore(%arg36 : memref<!tpu.dma_semaphore, #tpu.memory_space<semaphore_mem>>) src(%arg16 : memref<64x128xf32, #tpu.memory_space<vmem>>) dst(%dma_wait3A_327 : memref<64x128xf32, #tpu.memory_space<hbm>>)
    %dma_start3A_328 = arith.constant 25536 : i32
    %dma_start3A_329 = tpu.memref_slice %arg5[%dma_start3A_328] : memref<25600xi32, #tpu.memory_space<vmem>> -> memref<64xi32, #tpu.memory_space<vmem>>
    %dma_start3A_330 = arith.constant 0 : i32
    %dma_start3A_331 = arith.constant 0 : i32
    %dma_start3A_332 = tpu.memref_slice %arg6[%dma_start3A_330, %dma_start3A_331] : memref<51x128xf32, #tpu.memory_space<vmem_shared>> -> memref<51x128xf32, #tpu.memory_space<vmem_shared>>
    tpu.enqueue_indirect_dma source(%dma_start3A_332 : memref<51x128xf32, #tpu.memory_space<vmem_shared>>) target(%arg16 : memref<64x128xf32, #tpu.memory_space<vmem>>) offsets(%dma_start3A_329 : memref<64xi32, #tpu.memory_space<vmem>>) semaphore(%arg26 : memref<!tpu.dma_semaphore, #tpu.memory_space<semaphore_mem>>)
    %dma_wait3A_333 = arith.constant 25280 : i32
    %dma_wait3A_334 = tpu.memref_slice %arg5[%dma_wait3A_333] : memref<25600xi32, #tpu.memory_space<vmem>> -> memref<64xi32, #tpu.memory_space<vmem>>
    %dma_wait3A_335 = arith.constant 0 : i32
    %dma_wait3A_336 = arith.constant 0 : i32
    %dma_wait3A_337 = tpu.memref_slice %arg6[%dma_wait3A_335, %dma_wait3A_336] : memref<51x128xf32, #tpu.memory_space<vmem_shared>> -> memref<51x128xf32, #tpu.memory_space<vmem_shared>>
    tpu.wait_indirect_dma semaphore(%arg22 : memref<!tpu.dma_semaphore, #tpu.memory_space<semaphore_mem>>) src(%dma_wait3A_337 : memref<51x128xf32, #tpu.memory_space<vmem_shared>>) dst(%arg12 : memref<64x128xf32, #tpu.memory_space<vmem>>)
    %add3A_338 = arith.constant 25280 : i32
    %add3A_339 = arith.addi %mul3A_2, %add3A_338 : i32
    %dma_start3A_340 = arith.constant 0 : i32
    %dma_start3A_341 = tpu.memref_slice %arg4[%add3A_339, %dma_start3A_340] : memref<819200x128xf32, #tpu.memory_space<hbm>> -> memref<64x128xf32, #tpu.memory_space<hbm>>
    %dma_start3A_342 = arith.constant 0 : i32
    %dma_start3A_343 = tpu.memref_slice %arg4[%add3A_339, %dma_start3A_342] : memref<819200x128xf32, #tpu.memory_space<hbm>> -> memref<64x128xf32, #tpu.memory_space<hbm>>
    tpu.enqueue_dma source(%arg12 : memref<64x128xf32, #tpu.memory_space<vmem>>) target(%dma_start3A_343 : memref<64x128xf32, #tpu.memory_space<hbm>>) target_semaphore(%arg32 : memref<!tpu.dma_semaphore, #tpu.memory_space<semaphore_mem>>)
    %dma_wait3A_344 = arith.constant 25344 : i32
    %dma_wait3A_345 = tpu.memref_slice %arg5[%dma_wait3A_344] : memref<25600xi32, #tpu.memory_space<vmem>> -> memref<64xi32, #tpu.memory_space<vmem>>
    %dma_wait3A_346 = arith.constant 0 : i32
    %dma_wait3A_347 = arith.constant 0 : i32
    %dma_wait3A_348 = tpu.memref_slice %arg6[%dma_wait3A_346, %dma_wait3A_347] : memref<51x128xf32, #tpu.memory_space<vmem_shared>> -> memref<51x128xf32, #tpu.memory_space<vmem_shared>>
    tpu.wait_indirect_dma semaphore(%arg23 : memref<!tpu.dma_semaphore, #tpu.memory_space<semaphore_mem>>) src(%dma_wait3A_348 : memref<51x128xf32, #tpu.memory_space<vmem_shared>>) dst(%arg13 : memref<64x128xf32, #tpu.memory_space<vmem>>)
    %add3A_349 = arith.constant 25344 : i32
    %add3A_350 = arith.addi %mul3A_2, %add3A_349 : i32
    %dma_start3A_351 = arith.constant 0 : i32
    %dma_start3A_352 = tpu.memref_slice %arg4[%add3A_350, %dma_start3A_351] : memref<819200x128xf32, #tpu.memory_space<hbm>> -> memref<64x128xf32, #tpu.memory_space<hbm>>
    %dma_start3A_353 = arith.constant 0 : i32
    %dma_start3A_354 = tpu.memref_slice %arg4[%add3A_350, %dma_start3A_353] : memref<819200x128xf32, #tpu.memory_space<hbm>> -> memref<64x128xf32, #tpu.memory_space<hbm>>
    tpu.enqueue_dma source(%arg13 : memref<64x128xf32, #tpu.memory_space<vmem>>) target(%dma_start3A_354 : memref<64x128xf32, #tpu.memory_space<hbm>>) target_semaphore(%arg33 : memref<!tpu.dma_semaphore, #tpu.memory_space<semaphore_mem>>)
    %dma_wait3A_355 = arith.constant 25408 : i32
    %dma_wait3A_356 = tpu.memref_slice %arg5[%dma_wait3A_355] : memref<25600xi32, #tpu.memory_space<vmem>> -> memref<64xi32, #tpu.memory_space<vmem>>
    %dma_wait3A_357 = arith.constant 0 : i32
    %dma_wait3A_358 = arith.constant 0 : i32
    %dma_wait3A_359 = tpu.memref_slice %arg6[%dma_wait3A_357, %dma_wait3A_358] : memref<51x128xf32, #tpu.memory_space<vmem_shared>> -> memref<51x128xf32, #tpu.memory_space<vmem_shared>>
    tpu.wait_indirect_dma semaphore(%arg24 : memref<!tpu.dma_semaphore, #tpu.memory_space<semaphore_mem>>) src(%dma_wait3A_359 : memref<51x128xf32, #tpu.memory_space<vmem_shared>>) dst(%arg14 : memref<64x128xf32, #tpu.memory_space<vmem>>)
    %add3A_360 = arith.constant 25408 : i32
    %add3A_361 = arith.addi %mul3A_2, %add3A_360 : i32
    %dma_start3A_362 = arith.constant 0 : i32
    %dma_start3A_363 = tpu.memref_slice %arg4[%add3A_361, %dma_start3A_362] : memref<819200x128xf32, #tpu.memory_space<hbm>> -> memref<64x128xf32, #tpu.memory_space<hbm>>
    %dma_start3A_364 = arith.constant 0 : i32
    %dma_start3A_365 = tpu.memref_slice %arg4[%add3A_361, %dma_start3A_364] : memref<819200x128xf32, #tpu.memory_space<hbm>> -> memref<64x128xf32, #tpu.memory_space<hbm>>
    tpu.enqueue_dma source(%arg14 : memref<64x128xf32, #tpu.memory_space<vmem>>) target(%dma_start3A_365 : memref<64x128xf32, #tpu.memory_space<hbm>>) target_semaphore(%arg34 : memref<!tpu.dma_semaphore, #tpu.memory_space<semaphore_mem>>)
    %dma_wait3A_366 = arith.constant 25472 : i32
    %dma_wait3A_367 = tpu.memref_slice %arg5[%dma_wait3A_366] : memref<25600xi32, #tpu.memory_space<vmem>> -> memref<64xi32, #tpu.memory_space<vmem>>
    %dma_wait3A_368 = arith.constant 0 : i32
    %dma_wait3A_369 = arith.constant 0 : i32
    %dma_wait3A_370 = tpu.memref_slice %arg6[%dma_wait3A_368, %dma_wait3A_369] : memref<51x128xf32, #tpu.memory_space<vmem_shared>> -> memref<51x128xf32, #tpu.memory_space<vmem_shared>>
    tpu.wait_indirect_dma semaphore(%arg25 : memref<!tpu.dma_semaphore, #tpu.memory_space<semaphore_mem>>) src(%dma_wait3A_370 : memref<51x128xf32, #tpu.memory_space<vmem_shared>>) dst(%arg15 : memref<64x128xf32, #tpu.memory_space<vmem>>)
    %add3A_371 = arith.constant 25472 : i32
    %add3A_372 = arith.addi %mul3A_2, %add3A_371 : i32
    %dma_start3A_373 = arith.constant 0 : i32
    %dma_start3A_374 = tpu.memref_slice %arg4[%add3A_372, %dma_start3A_373] : memref<819200x128xf32, #tpu.memory_space<hbm>> -> memref<64x128xf32, #tpu.memory_space<hbm>>
    %dma_start3A_375 = arith.constant 0 : i32
    %dma_start3A_376 = tpu.memref_slice %arg4[%add3A_372, %dma_start3A_375] : memref<819200x128xf32, #tpu.memory_space<hbm>> -> memref<64x128xf32, #tpu.memory_space<hbm>>
    tpu.enqueue_dma source(%arg15 : memref<64x128xf32, #tpu.memory_space<vmem>>) target(%dma_start3A_376 : memref<64x128xf32, #tpu.memory_space<hbm>>) target_semaphore(%arg35 : memref<!tpu.dma_semaphore, #tpu.memory_space<semaphore_mem>>)
    %dma_wait3A_377 = arith.constant 25536 : i32
    %dma_wait3A_378 = tpu.memref_slice %arg5[%dma_wait3A_377] : memref<25600xi32, #tpu.memory_space<vmem>> -> memref<64xi32, #tpu.memory_space<vmem>>
    %dma_wait3A_379 = arith.constant 0 : i32
    %dma_wait3A_380 = arith.constant 0 : i32
    %dma_wait3A_381 = tpu.memref_slice %arg6[%dma_wait3A_379, %dma_wait3A_380] : memref<51x128xf32, #tpu.memory_space<vmem_shared>> -> memref<51x128xf32, #tpu.memory_space<vmem_shared>>
    tpu.wait_indirect_dma semaphore(%arg26 : memref<!tpu.dma_semaphore, #tpu.memory_space<semaphore_mem>>) src(%dma_wait3A_381 : memref<51x128xf32, #tpu.memory_space<vmem_shared>>) dst(%arg16 : memref<64x128xf32, #tpu.memory_space<vmem>>)
    %add3A_382 = arith.constant 25536 : i32
    %add3A_383 = arith.addi %mul3A_2, %add3A_382 : i32
    %dma_start3A_384 = arith.constant 0 : i32
    %dma_start3A_385 = tpu.memref_slice %arg4[%add3A_383, %dma_start3A_384] : memref<819200x128xf32, #tpu.memory_space<hbm>> -> memref<64x128xf32, #tpu.memory_space<hbm>>
    %dma_start3A_386 = arith.constant 0 : i32
    %dma_start3A_387 = tpu.memref_slice %arg4[%add3A_383, %dma_start3A_386] : memref<819200x128xf32, #tpu.memory_space<hbm>> -> memref<64x128xf32, #tpu.memory_space<hbm>>
    tpu.enqueue_dma source(%arg16 : memref<64x128xf32, #tpu.memory_space<vmem>>) target(%dma_start3A_387 : memref<64x128xf32, #tpu.memory_space<hbm>>) target_semaphore(%arg36 : memref<!tpu.dma_semaphore, #tpu.memory_space<semaphore_mem>>)
    %add3A_388 = arith.constant 24960 : i32
    %add3A_389 = arith.addi %mul3A_2, %add3A_388 : i32
    %dma_wait3A_390 = arith.constant 0 : i32
    %dma_wait3A_391 = tpu.memref_slice %arg4[%add3A_389, %dma_wait3A_390] : memref<819200x128xf32, #tpu.memory_space<hbm>> -> memref<64x128xf32, #tpu.memory_space<hbm>>
    %dma_wait3A_392 = arith.constant 0 : i32
    %dma_wait3A_393 = tpu.memref_slice %arg4[%add3A_389, %dma_wait3A_392] : memref<819200x128xf32, #tpu.memory_space<hbm>> -> memref<64x128xf32, #tpu.memory_space<hbm>>
    tpu.wait_dma2 semaphore(%arg27 : memref<!tpu.dma_semaphore, #tpu.memory_space<semaphore_mem>>) src(%arg7 : memref<64x128xf32, #tpu.memory_space<vmem>>) dst(%dma_wait3A_393 : memref<64x128xf32, #tpu.memory_space<hbm>>)
    %add3A_394 = arith.constant 25024 : i32
    %add3A_395 = arith.addi %mul3A_2, %add3A_394 : i32
    %dma_wait3A_396 = arith.constant 0 : i32
    %dma_wait3A_397 = tpu.memref_slice %arg4[%add3A_395, %dma_wait3A_396] : memref<819200x128xf32, #tpu.memory_space<hbm>> -> memref<64x128xf32, #tpu.memory_space<hbm>>
    %dma_wait3A_398 = arith.constant 0 : i32
    %dma_wait3A_399 = tpu.memref_slice %arg4[%add3A_395, %dma_wait3A_398] : memref<819200x128xf32, #tpu.memory_space<hbm>> -> memref<64x128xf32, #tpu.memory_space<hbm>>
    tpu.wait_dma2 semaphore(%arg28 : memref<!tpu.dma_semaphore, #tpu.memory_space<semaphore_mem>>) src(%arg8 : memref<64x128xf32, #tpu.memory_space<vmem>>) dst(%dma_wait3A_399 : memref<64x128xf32, #tpu.memory_space<hbm>>)
    %add3A_400 = arith.constant 25088 : i32
    %add3A_401 = arith.addi %mul3A_2, %add3A_400 : i32
    %dma_wait3A_402 = arith.constant 0 : i32
    %dma_wait3A_403 = tpu.memref_slice %arg4[%add3A_401, %dma_wait3A_402] : memref<819200x128xf32, #tpu.memory_space<hbm>> -> memref<64x128xf32, #tpu.memory_space<hbm>>
    %dma_wait3A_404 = arith.constant 0 : i32
    %dma_wait3A_405 = tpu.memref_slice %arg4[%add3A_401, %dma_wait3A_404] : memref<819200x128xf32, #tpu.memory_space<hbm>> -> memref<64x128xf32, #tpu.memory_space<hbm>>
    tpu.wait_dma2 semaphore(%arg29 : memref<!tpu.dma_semaphore, #tpu.memory_space<semaphore_mem>>) src(%arg9 : memref<64x128xf32, #tpu.memory_space<vmem>>) dst(%dma_wait3A_405 : memref<64x128xf32, #tpu.memory_space<hbm>>)
    %add3A_406 = arith.constant 25152 : i32
    %add3A_407 = arith.addi %mul3A_2, %add3A_406 : i32
    %dma_wait3A_408 = arith.constant 0 : i32
    %dma_wait3A_409 = tpu.memref_slice %arg4[%add3A_407, %dma_wait3A_408] : memref<819200x128xf32, #tpu.memory_space<hbm>> -> memref<64x128xf32, #tpu.memory_space<hbm>>
    %dma_wait3A_410 = arith.constant 0 : i32
    %dma_wait3A_411 = tpu.memref_slice %arg4[%add3A_407, %dma_wait3A_410] : memref<819200x128xf32, #tpu.memory_space<hbm>> -> memref<64x128xf32, #tpu.memory_space<hbm>>
    tpu.wait_dma2 semaphore(%arg30 : memref<!tpu.dma_semaphore, #tpu.memory_space<semaphore_mem>>) src(%arg10 : memref<64x128xf32, #tpu.memory_space<vmem>>) dst(%dma_wait3A_411 : memref<64x128xf32, #tpu.memory_space<hbm>>)
    %add3A_412 = arith.constant 25216 : i32
    %add3A_413 = arith.addi %mul3A_2, %add3A_412 : i32
    %dma_wait3A_414 = arith.constant 0 : i32
    %dma_wait3A_415 = tpu.memref_slice %arg4[%add3A_413, %dma_wait3A_414] : memref<819200x128xf32, #tpu.memory_space<hbm>> -> memref<64x128xf32, #tpu.memory_space<hbm>>
    %dma_wait3A_416 = arith.constant 0 : i32
    %dma_wait3A_417 = tpu.memref_slice %arg4[%add3A_413, %dma_wait3A_416] : memref<819200x128xf32, #tpu.memory_space<hbm>> -> memref<64x128xf32, #tpu.memory_space<hbm>>
    tpu.wait_dma2 semaphore(%arg31 : memref<!tpu.dma_semaphore, #tpu.memory_space<semaphore_mem>>) src(%arg11 : memref<64x128xf32, #tpu.memory_space<vmem>>) dst(%dma_wait3A_417 : memref<64x128xf32, #tpu.memory_space<hbm>>)
    %add3A_418 = arith.constant 25280 : i32
    %add3A_419 = arith.addi %mul3A_2, %add3A_418 : i32
    %dma_wait3A_420 = arith.constant 0 : i32
    %dma_wait3A_421 = tpu.memref_slice %arg4[%add3A_419, %dma_wait3A_420] : memref<819200x128xf32, #tpu.memory_space<hbm>> -> memref<64x128xf32, #tpu.memory_space<hbm>>
    %dma_wait3A_422 = arith.constant 0 : i32
    %dma_wait3A_423 = tpu.memref_slice %arg4[%add3A_419, %dma_wait3A_422] : memref<819200x128xf32, #tpu.memory_space<hbm>> -> memref<64x128xf32, #tpu.memory_space<hbm>>
    tpu.wait_dma2 semaphore(%arg32 : memref<!tpu.dma_semaphore, #tpu.memory_space<semaphore_mem>>) src(%arg12 : memref<64x128xf32, #tpu.memory_space<vmem>>) dst(%dma_wait3A_423 : memref<64x128xf32, #tpu.memory_space<hbm>>)
    %add3A_424 = arith.constant 25344 : i32
    %add3A_425 = arith.addi %mul3A_2, %add3A_424 : i32
    %dma_wait3A_426 = arith.constant 0 : i32
    %dma_wait3A_427 = tpu.memref_slice %arg4[%add3A_425, %dma_wait3A_426] : memref<819200x128xf32, #tpu.memory_space<hbm>> -> memref<64x128xf32, #tpu.memory_space<hbm>>
    %dma_wait3A_428 = arith.constant 0 : i32
    %dma_wait3A_429 = tpu.memref_slice %arg4[%add3A_425, %dma_wait3A_428] : memref<819200x128xf32, #tpu.memory_space<hbm>> -> memref<64x128xf32, #tpu.memory_space<hbm>>
    tpu.wait_dma2 semaphore(%arg33 : memref<!tpu.dma_semaphore, #tpu.memory_space<semaphore_mem>>) src(%arg13 : memref<64x128xf32, #tpu.memory_space<vmem>>) dst(%dma_wait3A_429 : memref<64x128xf32, #tpu.memory_space<hbm>>)
    %add3A_430 = arith.constant 25408 : i32
    %add3A_431 = arith.addi %mul3A_2, %add3A_430 : i32
    %dma_wait3A_432 = arith.constant 0 : i32
    %dma_wait3A_433 = tpu.memref_slice %arg4[%add3A_431, %dma_wait3A_432] : memref<819200x128xf32, #tpu.memory_space<hbm>> -> memref<64x128xf32, #tpu.memory_space<hbm>>
    %dma_wait3A_434 = arith.constant 0 : i32
    %dma_wait3A_435 = tpu.memref_slice %arg4[%add3A_431, %dma_wait3A_434] : memref<819200x128xf32, #tpu.memory_space<hbm>> -> memref<64x128xf32, #tpu.memory_space<hbm>>
    tpu.wait_dma2 semaphore(%arg34 : memref<!tpu.dma_semaphore, #tpu.memory_space<semaphore_mem>>) src(%arg14 : memref<64x128xf32, #tpu.memory_space<vmem>>) dst(%dma_wait3A_435 : memref<64x128xf32, #tpu.memory_space<hbm>>)
    %add3A_436 = arith.constant 25472 : i32
    %add3A_437 = arith.addi %mul3A_2, %add3A_436 : i32
    %dma_wait3A_438 = arith.constant 0 : i32
    %dma_wait3A_439 = tpu.memref_slice %arg4[%add3A_437, %dma_wait3A_438] : memref<819200x128xf32, #tpu.memory_space<hbm>> -> memref<64x128xf32, #tpu.memory_space<hbm>>
    %dma_wait3A_440 = arith.constant 0 : i32
    %dma_wait3A_441 = tpu.memref_slice %arg4[%add3A_437, %dma_wait3A_440] : memref<819200x128xf32, #tpu.memory_space<hbm>> -> memref<64x128xf32, #tpu.memory_space<hbm>>
    tpu.wait_dma2 semaphore(%arg35 : memref<!tpu.dma_semaphore, #tpu.memory_space<semaphore_mem>>) src(%arg15 : memref<64x128xf32, #tpu.memory_space<vmem>>) dst(%dma_wait3A_441 : memref<64x128xf32, #tpu.memory_space<hbm>>)
    %add3A_442 = arith.constant 25536 : i32
    %add3A_443 = arith.addi %mul3A_2, %add3A_442 : i32
    %dma_wait3A_444 = arith.constant 0 : i32
    %dma_wait3A_445 = tpu.memref_slice %arg4[%add3A_443, %dma_wait3A_444] : memref<819200x128xf32, #tpu.memory_space<hbm>> -> memref<64x128xf32, #tpu.memory_space<hbm>>
    %dma_wait3A_446 = arith.constant 0 : i32
    %dma_wait3A_447 = tpu.memref_slice %arg4[%add3A_443, %dma_wait3A_446] : memref<819200x128xf32, #tpu.memory_space<hbm>> -> memref<64x128xf32, #tpu.memory_space<hbm>>
    tpu.wait_dma2 semaphore(%arg36 : memref<!tpu.dma_semaphore, #tpu.memory_space<semaphore_mem>>) src(%arg16 : memref<64x128xf32, #tpu.memory_space<vmem>>) dst(%dma_wait3A_447 : memref<64x128xf32, #tpu.memory_space<hbm>>)
    return
  }
}

</mosaic_0001>

<sc_bundles>
// kernel: kernel.3.cloned.1.call-start
scs
__scs_entry_jumppad:
0x0: {  	(pc) =	sbr.rel $0x88, $3  }
0x1: {  	(tag) =	ssettag $0x0;
	lr =	simm.s32 $0x1  }
0x2: {  	[smem:$0x3F9F] =	sst lr;
	_ =	strace $0xD0000000  }
0x3: {  	_ = 	snop  }
0x4: {  	_ = 	snop  }
0x5: {  	_ = 	snop  }
0x6: {  	_ = 	snop  }
0x7: {  	_ = 	snop  }
__scs_overlays_trampoline_lowered:
0x8: {  	[smem:$0x3FAE] =	sst s0  }
0x9: {  	[smem:$0x3FAF] =	sst s1  }
0xa: {  	[smem:$0x3FB0] =	sst s2  }
0xb: {  	[smem:$0x3FB1] =	sst s3  }
0xc: {  	[smem:$0x3FB2] =	sst s4  }
0xd: {  	[smem:$0x3FB3] =	sst s5  }
0xe: {  	[smem:$0x3FB4] =	sst s6  }
0xf: {  	[smem:$0x3FB5] =	sst s7  }
0x10: {  	[smem:$0x3FB6] =	sst s8  }
0x11: {  	[smem:$0x3FB7] =	sst s9;
	s0 =	simm.s32 @!p0 $0x0  }
0x12: {  	s1 =	sld [smem:$0x3F9D];
	s0 =	simm.s32 @p0 $0x1  }
0x13: {  	[smem:$0x3FB8] =	sst s0;
	s0 =	simm.s32 @!p1 $0x0  }
0x14: {  	s2 =	sld [smem:$0x3F9C];
	s0 =	simm.s32 @p1 $0x1  }
0x15: {  	[smem:$0x3FB9] =	sst s0;
	s0 =	simm.s32 @!p2 $0x0  }
0x16: {  	s3 =	sld [smem:$0x3FDB];
	s0 =	simm.s32 @p2 $0x1  }
0x17: {  	s4 =	simm.s32 $0x1BF5;
	[smem:$0x3FBB] =	sst s0  }
0x18: {  	s0 =	sld [smem:$0x3F9E];
	_ =	swait.ge [sflag:s4], $0x0  }
0x19: {  	s7 =	sld [smem:$0x3F9F]  }
0x1a: {  	s8 =	sadd.s32 $0xFFFFE003, lr  }
0x1b: {  	s9 =	sadd.s32 $0xFFFFFEF7, lr;
	s5 =	simm.s32 $0xFFFFFFFF;
	p2 =	slt.u32 s8, $0xFFFFF086  }
0x1c: {  	p1 =	slt.u32 s9, $0xF7A;
	s5 =	simm.s32 @!p2 $0x0  }
0x1d: {  	s5 =	simm.s32 @p1 $0x1;
	p0 =	seq.s32 s7, s2  }
0x1e: {  	s7 =	smul.u32 @!p0 $0xF7A, s2;
	p2 =	seq.s32 @!p0 s5, $0x0  }
0x1f: {  	s9 =	smul.u32 $0xF7A, s1;
	s8 =	simm.s32 @!p0 $0x1BF5;
	p2 =	por !p2, p0  }
0x20: {  	[sflag:s8] =	ssyncset.s32 @!p0 $0xFFFFF086;
	s6 =	sadd.s32 @!p0 s3, s7;
	s7 =	simm.s32 @!p0 $0x108  }
0x21: {  	s3 =	sadd.s32 s3, s9;
	s6 =	sadd.s32 @!p0 $0x88, s6;
	s7 =	simm.s32 @p2 $0x1082  }
0x22: {  	[simem:s7], [sflag:s8] =	dma.local @!p0 [hbm:s6], $0xF7A  }
0x23: {  	s9 =	sor.u32 $0xD0000000, s2;
	s6 =	simm.s32 $0x108;
	_ =	swait.ge @!p0 [sflag:s8], $0x0  }
0x24: {  	s3 =	sadd.s32 $0x88, s3;
	s6 =	simm.s32 @!p1 $0x1082;
	[sflag:s4] =	ssyncset.s32 $0xFFFFF086  }
0x25: {  	[simem:s6], [sflag:s4] =	dma.local [hbm:s3], $0xF7A  }
0x26: {  	[smem:$0x3F9F] =	sst s1;
	(tag) =	ssettag s2;
	_ =	strace s9  }
0x27: {  	s1 =	sld [smem:$0x3FAF]  }
0x28: {  	s2 =	sld [smem:$0x3FB0]  }
0x29: {  	s4 =	sld [smem:$0x3FB2]  }
0x2a: {  	p0 =	seq.s32 s5, $0x0;
	s5 =	sld [smem:$0x3FB3]  }
0x2b: {  	s6 =	sld [smem:$0x3FB4]  }
0x2c: {  	s7 =	sld [smem:$0x3FB5]  }
0x2d: {  	s3 =	simm.s32 $0x108;
	s8 =	sld [smem:$0x3FB6]  }
0x2e: {  	s3 =	simm.s32 @!p0 $0x1082;
	s9 =	sld [smem:$0x3FB7]  }
0x2f: {  	lr =	sadd.s32 s0, s3;
	s0 =	sld [smem:$0x3FAE]  }
0x30: {  	s3 =	sld [smem:$0x3FB1]  }
0x31: {  	[smem:$0x3FBA] =	sst s10  }
0x32: {  	s10 =	sld [smem:$0x3FB8];
	_ =	sdelay $0x3  }
0x33: {  	p0 =	seq.s32 s10, $0x1;
	s10 =	sld [smem:$0x3FBA];
	_ =	sdelay $0x3  }
0x34: {  	[smem:$0x3FBA] =	sst s10  }
0x35: {  	s10 =	sld [smem:$0x3FB9];
	_ =	sdelay $0x3  }
0x36: {  	p1 =	seq.s32 s10, $0x1;
	s10 =	sld [smem:$0x3FBA];
	_ =	sdelay $0x3  }
0x37: {  	[smem:$0x3FBA] =	sst s10  }
0x38: {  	s10 =	sld [smem:$0x3FBB]  }
0x39: {  	_ = 	snop;
	(pc) =	sbr.ind lr, $3  }
0x3a: {  	_ = 	snop  }
0x3b: {  	_ = 	snop  }
0x3c: {  	p2 =	seq.s32 s10, $0x1;
	s10 =	sld [smem:$0x3FBA]  }
0x3d: {  	_ =	shalt  }
0x3e: {  	_ =	shalt  }
0x3f: {  	_ =	shalt  }
0x40: {  	_ =	shalt  }
0x41: {  	_ =	shalt  }
0x42: {  	_ =	shalt  }
0x43: {  	_ =	shalt  }
0x44: {  	_ =	shalt  }
0x45: {  	_ =	shalt  }
0x46: {  	_ =	shalt  }
0x47: {  	_ =	shalt  }
0x48: {  	_ =	shalt  }
0x49: {  	_ =	shalt  }
0x4a: {  	_ =	shalt  }
0x4b: {  	_ =	shalt  }
0x4c: {  	_ =	shalt  }
0x4d: {  	_ =	shalt  }
0x4e: {  	_ =	shalt  }
0x4f: {  	_ =	shalt  }
0x50: {  	_ =	shalt  }
0x51: {  	_ =	shalt  }
0x52: {  	_ =	shalt  }
0x53: {  	_ =	shalt  }
0x54: {  	_ =	shalt  }
0x55: {  	_ =	shalt  }
0x56: {  	_ =	shalt  }
0x57: {  	_ =	shalt  }
0x58: {  	_ =	shalt  }
0x59: {  	_ =	shalt  }
0x5a: {  	_ =	shalt  }
0x5b: {  	_ =	shalt  }
0x5c: {  	_ =	shalt  }
0x5d: {  	_ =	shalt  }
0x5e: {  	_ =	shalt  }
0x5f: {  	_ =	shalt  }
0x60: {  	_ =	shalt  }
0x61: {  	_ =	shalt  }
0x62: {  	_ =	shalt  }
0x63: {  	_ =	shalt  }
0x64: {  	_ =	shalt  }
0x65: {  	_ =	shalt  }
0x66: {  	_ =	shalt  }
0x67: {  	_ =	shalt  }
0x68: {  	_ =	shalt  }
0x69: {  	_ =	shalt  }
0x6a: {  	_ =	shalt  }
0x6b: {  	_ =	shalt  }
0x6c: {  	_ =	shalt  }
0x6d: {  	_ =	shalt  }
0x6e: {  	_ =	shalt  }
0x6f: {  	_ =	shalt  }
0x70: {  	_ =	shalt  }
0x71: {  	_ =	shalt  }
0x72: {  	_ =	shalt  }
0x73: {  	_ =	shalt  }
0x74: {  	_ =	shalt  }
0x75: {  	_ =	shalt  }
0x76: {  	_ =	shalt  }
0x77: {  	_ =	shalt  }
0x78: {  	_ =	shalt  }
0x79: {  	_ =	shalt  }
0x7a: {  	_ =	shalt  }
0x7b: {  	_ =	shalt  }
0x7c: {  	_ =	shalt  }
0x7d: {  	_ =	shalt  }
0x7e: {  	_ =	shalt  }
0x7f: {  	_ =	shalt  }
0x80: {  	_ =	shalt  }
0x81: {  	_ =	shalt  }
0x82: {  	_ =	shalt  }
0x83: {  	_ =	shalt  }
0x84: {  	_ =	shalt  }
0x85: {  	_ =	shalt  }
0x86: {  	_ =	shalt  }
0x87: {  	_ =	shalt  }
.Lfunc_end0:
.L_simem_size_0:
called_computation_lowered:
.L_overlay_start_0:
0x88: {  	s2 =	sld [smem:$0x3FD9]  }
0x89: {  	s3 =	sld [smem:$0x3FFE];
	_ =	sdelay $0x1  }
0x8a: {  	s1 =	srdreg.scid  }
0x8b: {  	s0 =	sand.u32 $0x1, s1  }
0x8c: {  	s17 =	sshll.u32 s0, $0xA;
	s2 =	sadd.s32 s3, s2  }
0x8d: {  	s2 =	sadd.s32 s2, s17  }
0x8e: {  	[smem:$0x3FC6] =	sst s2  }
0x8f: {  	_ = 	snop  }
0x90: {  	s2 =	sld [smem:$0x3FC8]  }
0x91: {  	s18 =	sld [smem:$0x3FD0];
	(tm) =	ssettm $0x1  }
0x92: {  	s4 =	sld [smem:$0x3FFB];
	_ =	sdelay $0x3  }
0x93: {  	_ =	strace s4  }
0x94: {  	s4 =	sld [smem:$0x3FFC];
	_ =	sdelay $0x3  }
0x95: {  	_ =	strace s4  }
0x96: {  	s4 =	sld [smem:$0x3FFD];
	_ =	sdelay $0x3  }
0x97: {  	_ =	strace s4  }
0x98: {  	_ =	strace $0x8FFFFFFF  }
0x99: {  	s19 =	sld [smem:$0x3FDB];
	_ =	sdelay $0x1  }
0x9a: {  	s5 =	simm.s32 $_scs_section_size  }
0x9b: {  	s6 =	simm.s32 $_size__tile_overlayer_lowered;
	s7 =	simm.s32 $_tile_overlayer_lowered  }
0x9c: {  	s22 =	simm.s32 $0x1BFF;
	s21 =	sshll.u32 s7, $0x1;
	s4 =	sadd.s32 s5, s19  }
0x9d: {  	s8 =	simm.s32 $0x0;
	s20 =	sshll.u32 s6, $0x1;
	s6 =	sadd.s32 s21, s4  }
0x9e: {  	[timem:s8], [sflag:s22] =	dma.local [hbm:s6], s20  }
0x9f: {  	_ =	swait.ge [sflag:s22], s20  }
0xa0: {  	s5 =	ssub.s32 $0x0, s20;
	[sflag:s22] =	ssyncset.done $0x0  }
0xa1: {  	[sflag:s22] =	ssyncadd.s32 s5;
	_ =	sdelay $0x1  }
0xa2: {  	s23 =	simm.s32 $0x1B8B  }
0xa3: {  	_ =	swait.ge [sflag:s23], $0x1  }
0xa4: {  	[sflag:s23] =	ssyncset.done $0x0  }
0xa5: {  	s25 =	simm.s32 $0x1B8E;
	s24 =	sld [smem:$0x3FFE];
	[sflag:s23] =	ssyncadd.s32 $0xFFFFFFFF  }
0xa6: {  	s26 =	simm.s32 $execute0_lowered;
	[smem:$0x3FD2] =	sst s25  }
0xa7: {  	s6 =	sshll.u32 s26, $0x1;
	_ =	strace $0x80000046;
	[dreg:$0x1] =	wrdreg $0xFFFFFFFF  }
0xa8: {  	s28 =	simm.s32 $_size_execute0_lowered;
	s4 =	sadd.s32 s4, s6;
	[dreg:$0x0] =	wrdreg $0x0  }
0xa9: {  	s6 =	sshll.u32 s28, $0x1;
	[dreg:$0x2] =	wrdreg s4  }
0xaa: {  	[dreg:$0x3] =	wrdreg s6  }
0xab: {  	[dreg:$0x4] =	wrdreg $0xC0  }
0xac: {  	_ =	task [dreg:s8], $0x5FFFF  }
0xad: {  	[dreg:$0x1] =	wrdreg $0xFFFFFFFF  }
0xae: {  	[dreg:$0x0] =	wrdreg $0x60  }
0xaf: {  	[dreg:$0x2] =	wrdreg s24  }
0xb0: {  	[dreg:$0x3] =	wrdreg s2  }
0xb1: {  	[dreg:$0x4] =	wrdreg s18  }
0xb2: {  	[dreg:$0x5] =	wrdreg $0x64000  }
0xb3: {  	[dreg:$0x6] =	wrdreg $0x9  }
0xb4: {  	_ =	task.clear_ibuf [dreg:s8], $0x7FFFF;
	_ =	strace $0x90000046  }
0xb5: {  	s29 =	simm.s32 $0x9;
	_ =	strace $0x80000048  }
0xb6: {  	_ =	swait.ge [sflag:s29], $0x1  }
0xb7: {  	[sflag:s29] =	ssyncadd.s32 $0xFFFFFFFF  }
0xb8: {  	_ =	strace $0x90000048  }
0xb9: {  	_ =	sfence  }
0xba: {  	s30 =	sld [smem:$0x0];
	_ =	sdelay $0x2  }
0xbb: {  	s31 =	sshll.u32 s1, $0xD;
	s1 =	sshrl.u32 s1, $0x2  }
0xbc: {  	s3 =	sand.u32 $0x4000, s31;
	s1 =	sadd.s32 s1, s30  }
0xbd: {  	s0 =	sor.u32 s3, s0;
	s1 =	sshll.u32 s1, $0x11  }
0xbe: {  	s0 =	sor.u32 s1, s0  }
0xbf: {  	s0 =	sadd.s32 $0x8F2B, s0  }
0xc0: {  	[sflag:s0] =	ssyncadd.remote.s32 $0x1  }
0xc1: {  	_ =	sfence.sel $0xFFFF  }
0xc2: {  	[dreg:$0x0] =	wrdreg $0xFFFFFFFF;
	(pc) =	sbr.abs _section_cstart, $3  }
0xc3: {  	[dreg:$0x1] =	wrdreg $0xFFFFFFFF  }
0xc4: {  	_ =	task.clear_ibuf [dreg:s8], $0x2FFFF;
	_ =	strace $0x9FFFFFFF  }
0xc5: {  	(tm) =	ssettm $0x7FFFFFFF  }
tec
execute0_lowered:
.L_overlay_start_1:
0x0: {  	(tag) =	ssettag $0x1  }
0x1: {  	s1 =	srdreg.scid;
	s4 =	stileid.u32  }
0x2: {  	s0 =	rddreg [dreg:$0x0];
	s1 =	sand.u32 $0x1, s1;
	s3 =	sshll.u32 s4, $0x1  }
0x3: {  	s5 =	rddreg [dreg:$0x2];
	s6 =	sor.u32 s1, s3  }
0x4: {  	s2 =	rddreg [dreg:$0x3];
	s7 =	smul.u32 $0x6400, s6  }
0x5: {  	s3 =	simm.s32 $0x0;
	s8 =	ssub.s32 $0x2, s1;
	s9 =	smul.u32 $0x64000, s6  }
0x6: {  	[smem:$0x7FF] =	sst s3;
	s10 =	sshrl.u32 s8, $0x1;
	s7 =	sshrl.u32 s7, $0x3  }
0x7: {  	s0 =	sadd.s32 s7, s0;
	s7 =	ssub.s32 s8, s10;
	s8 =	sadd.s32 s5, s9  }
0x8: {  	_ =	strace $0x80000047;
	s0 =	sadd.s32 $0x400, s0;
	[dreg:$0x5] =	wrdreg s8  }
0x9: {  	s23 =	sadd.s32 $0x400, s8;
	[dreg:$0x6] =	wrdreg s0  }
0xa: {  	s25 =	sadd.s32 $0x800, s8;
	[dreg:$0x7] =	wrdreg s23  }
0xb: {  	s26 =	sadd.s32 $0xC00, s8;
	[dreg:$0x8] =	wrdreg s25  }
0xc: {  	s9 =	sadd.s32 $0x1000, s8;
	[dreg:$0x9] =	wrdreg s26  }
0xd: {  	s10 =	sadd.s32 $0x1400, s8;
	[dreg:$0xa] =	wrdreg s9  }
0xe: {  	s29 =	simm.s32 $0x40;
	s11 =	sadd.s32 $0x1800, s8;
	[dreg:$0xb] =	wrdreg s10  }
0xf: {  	s24 =	smul.u32 $0x320000, s6;
	s12 =	sadd.s32 $0x1C00, s8;
	[dreg:$0xc] =	wrdreg s11  }
0x10: {  	s28 =	simm.s32 $0x11;
	s13 =	sadd.s32 $0x2000, s8;
	[dreg:$0xd] =	wrdreg s12  }
0x11: {  	s0 =	sshrl.u32 s24, $0x3;
	[dreg:$0xe] =	wrdreg s13;
	s24 =	smax.u32 s7, $0x1  }
0x12: {  	s26 =	sadd.s32 $0x2400, s8;
	s0 =	sadd.s32 s5, s0;
	[dreg:$0x19] =	wrdreg s24  }
0x13: {  	s30 =	simm.s32 $0x13;
	[dreg:$0x1b] =	wrdreg s26;
	s14 =	sadd.s32 $0x61800, s0  }
0x14: {  	s31 =	simm.s32 $0x14;
	s15 =	sadd.s32 $0x61C00, s0;
	[dreg:$0xf] =	wrdreg s14  }
0x15: {  	s16 =	smul.u32 $0xC8000, s4;
	s17 =	sadd.s32 $0x62000, s0;
	[dreg:$0x10] =	wrdreg s15  }
0x16: {  	p0 =	sne.s32 s4, $0x0;
	s18 =	sadd.s32 $0x62400, s0;
	[dreg:$0x11] =	wrdreg s17  }
0x17: {  	s4 =	simm.s32 $0x10;
	s19 =	sadd.s32 $0x62800, s0;
	[dreg:$0x12] =	wrdreg s18  }
0x18: {  	s1 =	smul.u32 $0x64000, s1;
	s20 =	sadd.s32 $0x62C00, s0;
	[dreg:$0x13] =	wrdreg s19  }
0x19: {  	s5 =	sadd.s32 s16, s5;
	s21 =	sadd.s32 $0x63000, s0;
	[dreg:$0x14] =	wrdreg s20  }
0x1a: {  	s24 =	simm.s32 $0xA;
	s22 =	sadd.s32 $0x63400, s0;
	[dreg:$0x15] =	wrdreg s21  }
0x1b: {  	s26 =	simm.s32 $0xF;
	s23 =	sadd.s32 $0x63800, s0;
	[dreg:$0x16] =	wrdreg s22  }
0x1c: {  	s1 =	sadd.s32 s1, s5;
	s0 =	sadd.s32 $0x63C00, s0;
	[dreg:$0x17] =	wrdreg s23  }
0x1d: {  	[dreg:$0x18] =	wrdreg s0;
	s25 =	sadd.s32 $0x4C00, s1;
	s17 =	simm.s32 $0xB  }
0x1e: {  	s18 =	simm.s32 $0x7;
	s19 =	simm.s32 $0xC;
	s20 =	simm.s32 $0x8  }
0x1f: {  	s21 =	simm.s32 $0xD;
	s22 =	simm.s32 $0x9;
	s23 =	simm.s32 $0xE  }
0x20: {  	s1 =	simm.s32 $0x0;
	[dreg:$0x1a] =	wrdreg s25;
	s25 =	simm.s32 $0x12  }
.LBB2_1:
0x21: {  	[dreg:$0x1c] =	wrdreg s1  }
0x22: {  	s0 =	rddreg [dreg:$0x6];
	s11 =	simm.s32 $0x15  }
0x23: {  	[tilespmem:s3], [sflag:$0x15] =	stream.linear.gather [hbm4b:s0+s3], $0x6400, $0x38;
	[tilespmem:$0x1A598] =	vst v63  }
0x24: {  	_ =	swait.ge [sflag:s11], $0x6400  }
0x25: {  	[sflag:s11] =	ssyncset.done $0x0  }
0x26: {  	[sflag:s11] =	ssyncadd.s32 $0xFFFF9C00  }
0x27: {  	s1 =	simm.s32 @!p0 $0x1C15;
	s0 =	sshrl.u32 @!p0 s2, $0x3;
	s5 =	rddreg [dreg:$0x1]  }
0x28: {  	[spmem:s0], [sflag:s1] =	dma.local @!p0 [hbm:s5], $0x330  }
0x29: {  	s0 =	simm.s32 @!p0 $0x15  }
0x2a: {  	_ =	swait.ge @!p0 [sflag:s0], $0x330  }
0x2b: {  	[sflag:s0] =	ssyncset.done @!p0 $0x0  }
0x2c: {  	[sflag:s0] =	ssyncadd.s32 @!p0 $0xFFFFFCD0  }
0x2d: {  	s5 =	simm.s32 $0x6598;
	[bflag:$0x0] =	sbarrier.arrive $0xFFFF  }
0x2e: {  	[tilespmem:s5], [sflag:$0x1] =	stream.indirect.gather [spmem:s2], $0x80, s3, s29, $0xb8;
	[tilespmem:$0x1A598] =	vst v63  }
0x2f: {  	s13 =	simm.s32 $0x8598  }
0x30: {  	[tilespmem:s13], [sflag:$0x2] =	stream.indirect.gather [spmem:s2], $0x80, s29, s29, $0xb8;
	[tilespmem:$0x1A598] =	vst v63  }
0x31: {  	s12 =	simm.s32 $0x80;
	s14 =	simm.s32 $0xA598  }
0x32: {  	[tilespmem:s14], [sflag:$0x3] =	stream.indirect.gather [spmem:s2], $0x80, s12, s29, $0xb8;
	[tilespmem:$0x1A598] =	vst v63  }
0x33: {  	s15 =	simm.s32 $0xC0;
	s16 =	simm.s32 $0xC598  }
0x34: {  	[tilespmem:s16], [sflag:$0x4] =	stream.indirect.gather [spmem:s2], $0x80, s15, s29, $0xb8;
	[tilespmem:$0x1A598] =	vst v63  }
0x35: {  	s7 =	simm.s32 $0xE598;
	s1 =	simm.s32 $0x100  }
0x36: {  	[tilespmem:s7], [sflag:$0x5] =	stream.indirect.gather [spmem:s2], $0x80, s1, s29, $0xb8;
	[tilespmem:$0x1A598] =	vst v63  }
0x37: {  	s1 =	simm.s32 $0x1  }
0x38: {  	_ =	swait.ge [sflag:s1], $0x2000  }
0x39: {  	[sflag:s1] =	ssyncset.done $0x0  }
0x3a: {  	s6 =	rddreg [dreg:$0x5];
	[sflag:s1] =	ssyncadd.s32 $0xFFFFE000  }
0x3b: {  	[hbm4b:s6+s3] =	stream.linear.scatter [tilespmem:s5], [sflag:$0xB], $0x2000, $0x38;
	[tilespmem:$0x1A598] =	vst v63  }
0x3c: {  	s8 =	simm.s32 $0x140;
	s15 =	simm.s32 $0x10598  }
0x3d: {  	[tilespmem:s15], [sflag:$0x6] =	stream.indirect.gather [spmem:s2], $0x80, s8, s29, $0xb8;
	[tilespmem:$0x1A598] =	vst v63  }
0x3e: {  	s8 =	simm.s32 $0x2  }
0x3f: {  	_ =	swait.ge [sflag:s8], $0x2000  }
0x40: {  	[sflag:s8] =	ssyncset.done $0x0  }
0x41: {  	s9 =	rddreg [dreg:$0x7];
	[sflag:s8] =	ssyncadd.s32 $0xFFFFE000  }
0x42: {  	[hbm4b:s9+s3] =	stream.linear.scatter [tilespmem:s13], [sflag:$0xC], $0x2000, $0x38;
	[tilespmem:$0x1A598] =	vst v63  }
0x43: {  	s10 =	simm.s32 $0x180;
	s9 =	simm.s32 $0x12598  }
0x44: {  	[tilespmem:s9], [sflag:$0x7] =	stream.indirect.gather [spmem:s2], $0x80, s10, s29, $0xb8;
	[tilespmem:$0x1A598] =	vst v63  }
0x45: {  	s10 =	simm.s32 $0x3  }
0x46: {  	_ =	swait.ge [sflag:s10], $0x2000  }
0x47: {  	[sflag:s10] =	ssyncset.done $0x0  }
0x48: {  	s11 =	simm.s32 $0xA598;
	s12 =	rddreg [dreg:$0x8];
	[sflag:s10] =	ssyncadd.s32 $0xFFFFE000  }
0x49: {  	[hbm4b:s12+s3] =	stream.linear.scatter [tilespmem:s11], [sflag:$0xD], $0x2000, $0x38;
	[tilespmem:$0x1A598] =	vst v63  }
0x4a: {  	s16 =	simm.s32 $0x1C0;
	s9 =	simm.s32 $0x14598;
	s12 =	simm.s32 $0x4  }
0x4b: {  	[tilespmem:s9], [sflag:$0x8] =	stream.indirect.gather [spmem:s2], $0x80, s16, s29, $0xb8;
	[tilespmem:$0x1A598] =	vst v63  }
0x4c: {  	_ =	swait.ge [sflag:s12], $0x2000  }
0x4d: {  	[sflag:s12] =	ssyncset.done $0x0  }
0x4e: {  	s14 =	simm.s32 $0xC598;
	s11 =	rddreg [dreg:$0x9];
	[sflag:s12] =	ssyncadd.s32 $0xFFFFE000  }
0x4f: {  	[hbm4b:s11+s3] =	stream.linear.scatter [tilespmem:s14], [sflag:$0xE], $0x2000, $0x38;
	[tilespmem:$0x1A598] =	vst v63  }
0x50: {  	s16 =	simm.s32 $0x200;
	s11 =	simm.s32 $0x16598;
	s14 =	simm.s32 $0x5  }
0x51: {  	[tilespmem:s11], [sflag:$0x9] =	stream.indirect.gather [spmem:s2], $0x80, s16, s29, $0xb8;
	[tilespmem:$0x1A598] =	vst v63  }
0x52: {  	_ =	swait.ge [sflag:s14], $0x2000  }
0x53: {  	[sflag:s14] =	ssyncset.done $0x0  }
0x54: {  	s16 =	rddreg [dreg:$0xa];
	[sflag:s14] =	ssyncadd.s32 $0xFFFFE000  }
0x55: {  	[hbm4b:s16+s3] =	stream.linear.scatter [tilespmem:s7], [sflag:$0xF], $0x2000, $0x38;
	[tilespmem:$0x1A598] =	vst v63  }
0x56: {  	s0 =	simm.s32 $0x240;
	s16 =	simm.s32 $0x18598  }
0x57: {  	[tilespmem:s16], [sflag:$0xA] =	stream.indirect.gather [spmem:s2], $0x80, s0, s29, $0xb8;
	[tilespmem:$0x1A598] =	vst v63  }
0x58: {  	s16 =	simm.s32 $0x6  }
0x59: {  	_ =	swait.ge [sflag:s16], $0x2000  }
0x5a: {  	[sflag:s16] =	ssyncset.done $0x0  }
0x5b: {  	s0 =	rddreg [dreg:$0xb];
	[sflag:s16] =	ssyncadd.s32 $0xFFFFE000  }
0x5c: {  	[hbm4b:s0+s3] =	stream.linear.scatter [tilespmem:s15], [sflag:$0x10], $0x2000, $0x38;
	[tilespmem:$0x1A598] =	vst v63  }
0x5d: {  	_ =	swait.ge [sflag:s17], $0x2000  }
0x5e: {  	[sflag:s17] =	ssyncset.done $0x0  }
0x5f: {  	s0 =	simm.s32 $0x280;
	[sflag:s17] =	ssyncadd.s32 $0xFFFFE000  }
0x60: {  	[tilespmem:s5], [sflag:$0x1] =	stream.indirect.gather [spmem:s2], $0x80, s0, s29, $0xb8;
	[tilespmem:$0x1A598] =	vst v63  }
0x61: {  	_ =	swait.ge [sflag:s18], $0x2000  }
0x62: {  	[sflag:s18] =	ssyncset.done $0x0  }
0x63: {  	s6 =	simm.s32 $0x12598;
	s0 =	rddreg [dreg:$0xc];
	[sflag:s18] =	ssyncadd.s32 $0xFFFFE000  }
0x64: {  	[hbm4b:s0+s3] =	stream.linear.scatter [tilespmem:s6], [sflag:$0x11], $0x2000, $0x38;
	[tilespmem:$0x1A598] =	vst v63  }
0x65: {  	_ =	swait.ge [sflag:s19], $0x2000  }
0x66: {  	[sflag:s19] =	ssyncset.done $0x0  }
0x67: {  	s6 =	simm.s32 $0x2C0;
	[sflag:s19] =	ssyncadd.s32 $0xFFFFE000  }
0x68: {  	[tilespmem:s13], [sflag:$0x2] =	stream.indirect.gather [spmem:s2], $0x80, s6, s29, $0xb8;
	[tilespmem:$0x1A598] =	vst v63  }
0x69: {  	_ =	swait.ge [sflag:s20], $0x2000  }
0x6a: {  	[sflag:s20] =	ssyncset.done $0x0  }
0x6b: {  	s9 =	simm.s32 $0x14598;
	s6 =	rddreg [dreg:$0xd];
	[sflag:s20] =	ssyncadd.s32 $0xFFFFE000  }
0x6c: {  	[hbm4b:s6+s3] =	stream.linear.scatter [tilespmem:s9], [sflag:$0x12], $0x2000, $0x38;
	[tilespmem:$0x1A598] =	vst v63  }
0x6d: {  	_ =	swait.ge [sflag:s21], $0x2000  }
0x6e: {  	[sflag:s21] =	ssyncset.done $0x0  }
0x6f: {  	s9 =	simm.s32 $0x300;
	s6 =	simm.s32 $0xA598;
	[sflag:s21] =	ssyncadd.s32 $0xFFFFE000  }
0x70: {  	[tilespmem:s6], [sflag:$0x3] =	stream.indirect.gather [spmem:s2], $0x80, s9, s29, $0xb8;
	[tilespmem:$0x1A598] =	vst v63  }
0x71: {  	_ =	swait.ge [sflag:s22], $0x2000  }
0x72: {  	[sflag:s22] =	ssyncset.done $0x0  }
0x73: {  	s11 =	simm.s32 $0x16598;
	s9 =	rddreg [dreg:$0xe];
	[sflag:s22] =	ssyncadd.s32 $0xFFFFE000  }
0x74: {  	[hbm4b:s9+s3] =	stream.linear.scatter [tilespmem:s11], [sflag:$0x13], $0x2000, $0x38;
	[tilespmem:$0x1A598] =	vst v63  }
0x75: {  	_ =	swait.ge [sflag:s23], $0x2000  }
0x76: {  	[sflag:s23] =	ssyncset.done $0x0  }
0x77: {  	s9 =	simm.s32 $0x340;
	s11 =	simm.s32 $0xC598;
	[sflag:s23] =	ssyncadd.s32 $0xFFFFE000  }
0x78: {  	[tilespmem:s11], [sflag:$0x4] =	stream.indirect.gather [spmem:s2], $0x80, s9, s29, $0xb8;
	[tilespmem:$0x1A598] =	vst v63  }
0x79: {  	_ =	swait.ge [sflag:s24], $0x2000  }
0x7a: {  	[sflag:s24] =	ssyncset.done $0x0  }
0x7b: {  	s11 =	simm.s32 $0x18598;
	s0 =	rddreg [dreg:$0x1b];
	[sflag:s24] =	ssyncadd.s32 $0xFFFFE000  }
0x7c: {  	[hbm4b:s0+s3] =	stream.linear.scatter [tilespmem:s11], [sflag:$0x14], $0x2000, $0x38;
	[tilespmem:$0x1A598] =	vst v63  }
0x7d: {  	_ =	swait.ge [sflag:s26], $0x2000  }
0x7e: {  	[sflag:s26] =	ssyncset.done $0x0  }
0x7f: {  	s11 =	simm.s32 $0x380;
	[sflag:s26] =	ssyncadd.s32 $0xFFFFE000  }
0x80: {  	[tilespmem:s7], [sflag:$0x5] =	stream.indirect.gather [spmem:s2], $0x80, s11, s29, $0xb8;
	[tilespmem:$0x1A598] =	vst v63  }
0x81: {  	_ =	swait.ge [sflag:s1], $0x2000  }
0x82: {  	[sflag:s1] =	ssyncset.done $0x0  }
0x83: {  	[sflag:s1] =	ssyncadd.s32 $0xFFFFE000;
	s1 =	rddreg [dreg:$0x1a]  }
0x84: {  	s11 =	sadd.s32 $0xFFFFDC00, s1  }
0x85: {  	[hbm4b:s11+s3] =	stream.linear.scatter [tilespmem:s5], [sflag:$0xB], $0x2000, $0x38;
	[tilespmem:$0x1A598] =	vst v63  }
0x86: {  	_ =	swait.ge [sflag:s4], $0x2000  }
0x87: {  	[sflag:s4] =	ssyncset.done $0x0  }
0x88: {  	s11 =	simm.s32 $0x3C0;
	[sflag:s4] =	ssyncadd.s32 $0xFFFFE000  }
0x89: {  	[tilespmem:s15], [sflag:$0x6] =	stream.indirect.gather [spmem:s2], $0x80, s11, s29, $0xb8;
	[tilespmem:$0x1A598] =	vst v63  }
0x8a: {  	_ =	swait.ge [sflag:s8], $0x2000  }
0x8b: {  	[sflag:s8] =	ssyncset.done $0x0  }
0x8c: {  	s11 =	sadd.s32 $0xFFFFE000, s1;
	[sflag:s8] =	ssyncadd.s32 $0xFFFFE000  }
0x8d: {  	[hbm4b:s11+s3] =	stream.linear.scatter [tilespmem:s13], [sflag:$0xC], $0x2000, $0x38;
	[tilespmem:$0x1A598] =	vst v63  }
0x8e: {  	_ =	swait.ge [sflag:s28], $0x2000  }
0x8f: {  	[sflag:s28] =	ssyncset.done $0x0  }
0x90: {  	s8 =	simm.s32 $0x400;
	s11 =	simm.s32 $0x12598;
	[sflag:s28] =	ssyncadd.s32 $0xFFFFE000  }
0x91: {  	[tilespmem:s11], [sflag:$0x7] =	stream.indirect.gather [spmem:s2], $0x80, s8, s29, $0xb8;
	[tilespmem:$0x1A598] =	vst v63  }
0x92: {  	_ =	swait.ge [sflag:s10], $0x2000  }
0x93: {  	[sflag:s10] =	ssyncset.done $0x0  }
0x94: {  	[sflag:s10] =	ssyncadd.s32 $0xFFFFE000;
	s10 =	sadd.s32 $0xFFFFE400, s1  }
0x95: {  	[hbm4b:s10+s3] =	stream.linear.scatter [tilespmem:s6], [sflag:$0xD], $0x2000, $0x38;
	[tilespmem:$0x1A598] =	vst v63  }
0x96: {  	_ =	swait.ge [sflag:s25], $0x2000  }
0x97: {  	[sflag:s25] =	ssyncset.done $0x0  }
0x98: {  	s8 =	simm.s32 $0x440;
	s10 =	simm.s32 $0x14598;
	[sflag:s25] =	ssyncadd.s32 $0xFFFFE000  }
0x99: {  	[tilespmem:s10], [sflag:$0x8] =	stream.indirect.gather [spmem:s2], $0x80, s8, s29, $0xb8;
	[tilespmem:$0x1A598] =	vst v63  }
0x9a: {  	_ =	swait.ge [sflag:s12], $0x2000  }
0x9b: {  	[sflag:s12] =	ssyncset.done $0x0  }
0x9c: {  	s9 =	simm.s32 $0xC598;
	s8 =	sadd.s32 $0xFFFFE800, s1;
	[sflag:s12] =	ssyncadd.s32 $0xFFFFE000  }
0x9d: {  	[hbm4b:s8+s3] =	stream.linear.scatter [tilespmem:s9], [sflag:$0xE], $0x2000, $0x38;
	[tilespmem:$0x1A598] =	vst v63  }
0x9e: {  	_ =	swait.ge [sflag:s30], $0x2000  }
0x9f: {  	[sflag:s30] =	ssyncset.done $0x0  }
0xa0: {  	s12 =	simm.s32 $0x480;
	s8 =	simm.s32 $0x16598;
	[sflag:s30] =	ssyncadd.s32 $0xFFFFE000  }
0xa1: {  	[tilespmem:s8], [sflag:$0x9] =	stream.indirect.gather [spmem:s2], $0x80, s12, s29, $0xb8;
	[tilespmem:$0x1A598] =	vst v63  }
0xa2: {  	_ =	swait.ge [sflag:s14], $0x2000  }
0xa3: {  	[sflag:s14] =	ssyncset.done $0x0  }
0xa4: {  	s6 =	sadd.s32 $0xFFFFEC00, s1;
	[sflag:s14] =	ssyncadd.s32 $0xFFFFE000  }
0xa5: {  	[hbm4b:s6+s3] =	stream.linear.scatter [tilespmem:s7], [sflag:$0xF], $0x2000, $0x38;
	[tilespmem:$0x1A598] =	vst v63  }
0xa6: {  	_ =	swait.ge [sflag:s31], $0x2000  }
0xa7: {  	[sflag:s31] =	ssyncset.done $0x0  }
0xa8: {  	s12 =	simm.s32 $0x4C0;
	s6 =	simm.s32 $0x18598;
	[sflag:s31] =	ssyncadd.s32 $0xFFFFE000  }
0xa9: {  	[tilespmem:s6], [sflag:$0xA] =	stream.indirect.gather [spmem:s2], $0x80, s12, s29, $0xb8;
	[tilespmem:$0x1A598] =	vst v63  }
0xaa: {  	_ =	swait.ge [sflag:s16], $0x2000  }
0xab: {  	[sflag:s16] =	ssyncset.done $0x0  }
0xac: {  	s14 =	sadd.s32 $0xFFFFF000, s1;
	[sflag:s16] =	ssyncadd.s32 $0xFFFFE000  }
0xad: {  	[hbm4b:s14+s3] =	stream.linear.scatter [tilespmem:s15], [sflag:$0x10], $0x2000, $0x38;
	[tilespmem:$0x1A598] =	vst v63  }
0xae: {  	_ =	swait.ge [sflag:s17], $0x2000  }
0xaf: {  	[sflag:s17] =	ssyncset.done $0x0  }
0xb0: {  	s16 =	simm.s32 $0x500;
	[sflag:s17] =	ssyncadd.s32 $0xFFFFE000  }
0xb1: {  	[tilespmem:s5], [sflag:$0x1] =	stream.indirect.gather [spmem:s2], $0x80, s16, s29, $0xb8;
	[tilespmem:$0x1A598] =	vst v63  }
0xb2: {  	_ =	swait.ge [sflag:s18], $0x2000  }
0xb3: {  	[sflag:s18] =	ssyncset.done $0x0  }
0xb4: {  	s11 =	simm.s32 $0x12598;
	s7 =	sadd.s32 $0xFFFFF400, s1;
	[sflag:s18] =	ssyncadd.s32 $0xFFFFE000  }
0xb5: {  	[hbm4b:s7+s3] =	stream.linear.scatter [tilespmem:s11], [sflag:$0x11], $0x2000, $0x38;
	[tilespmem:$0x1A598] =	vst v63  }
0xb6: {  	_ =	swait.ge [sflag:s19], $0x2000  }
0xb7: {  	[sflag:s19] =	ssyncset.done $0x0  }
0xb8: {  	s11 =	simm.s32 $0x540;
	[sflag:s19] =	ssyncadd.s32 $0xFFFFE000  }
0xb9: {  	[tilespmem:s13], [sflag:$0x2] =	stream.indirect.gather [spmem:s2], $0x80, s11, s29, $0xb8;
	[tilespmem:$0x1A598] =	vst v63  }
0xba: {  	_ =	swait.ge [sflag:s20], $0x2000  }
0xbb: {  	[sflag:s20] =	ssyncset.done $0x0  }
0xbc: {  	s10 =	simm.s32 $0x14598;
	s12 =	sadd.s32 $0xFFFFF800, s1;
	[sflag:s20] =	ssyncadd.s32 $0xFFFFE000  }
0xbd: {  	[hbm4b:s12+s3] =	stream.linear.scatter [tilespmem:s10], [sflag:$0x12], $0x2000, $0x38;
	[tilespmem:$0x1A598] =	vst v63  }
0xbe: {  	_ =	swait.ge [sflag:s21], $0x2000  }
0xbf: {  	[sflag:s21] =	ssyncset.done $0x0  }
0xc0: {  	s14 =	simm.s32 $0xA598;
	s13 =	simm.s32 $0x580;
	[sflag:s21] =	ssyncadd.s32 $0xFFFFE000  }
0xc1: {  	[tilespmem:s14], [sflag:$0x3] =	stream.indirect.gather [spmem:s2], $0x80, s13, s29, $0xb8;
	[tilespmem:$0x1A598] =	vst v63  }
0xc2: {  	_ =	swait.ge [sflag:s22], $0x2000  }
0xc3: {  	[sflag:s22] =	ssyncset.done $0x0  }
0xc4: {  	s15 =	sadd.s32 $0xFFFFFC00, s1;
	[sflag:s22] =	ssyncadd.s32 $0xFFFFE000  }
0xc5: {  	[hbm4b:s15+s3] =	stream.linear.scatter [tilespmem:s8], [sflag:$0x13], $0x2000, $0x38;
	[tilespmem:$0x1A598] =	vst v63  }
0xc6: {  	_ =	swait.ge [sflag:s23], $0x2000  }
0xc7: {  	[sflag:s23] =	ssyncset.done $0x0  }
0xc8: {  	s9 =	simm.s32 $0xC598;
	s16 =	simm.s32 $0x5C0;
	[sflag:s23] =	ssyncadd.s32 $0xFFFFE000  }
0xc9: {  	[tilespmem:s9], [sflag:$0x4] =	stream.indirect.gather [spmem:s2], $0x80, s16, s29, $0xb8;
	[tilespmem:$0x1A598] =	vst v63  }
0xca: {  	_ =	swait.ge [sflag:s24], $0x2000  }
0xcb: {  	[sflag:s24] =	ssyncset.done $0x0  }
0xcc: {  	[sflag:s24] =	ssyncadd.s32 $0xFFFFE000  }
0xcd: {  	[hbm4b:s1+s3] =	stream.linear.scatter [tilespmem:s6], [sflag:$0x14], $0x2000, $0x38;
	[tilespmem:$0x1A598] =	vst v63  }
0xce: {  	_ =	swait.ge [sflag:s26], $0x2000  }
0xcf: {  	s0 =	simm.s32 $0xA00;
	[sflag:s26] =	ssyncset.done $0x0  }
0xd0: {  	s5 =	simm.s32 $0x600;
	s1 =	sadd.s32 $0x2800, s1;
	[sflag:s26] =	ssyncadd.s32 $0xFFFFE000  }
.LBB2_2:
0xd1: {  	s11 =	simm.s32 $0xE598  }
0xd2: {  	[tilespmem:s11], [sflag:$0x5] =	stream.indirect.gather [spmem:s2], $0x80, s5, s29, $0xb8;
	[tilespmem:$0x1A598] =	vst v63  }
0xd3: {  	s6 =	simm.s32 $0x1;
	s5 =	smov.u32 s0  }
0xd4: {  	p1 =	sne.s32 s0, $0x17200;
	s0 =	sadd.s32 $0xA00, s0;
	_ =	swait.ge [sflag:s6], $0x2000  }
0xd5: {  	[sflag:s6] =	ssyncset.done $0x0  }
0xd6: {  	s7 =	sadd.s32 $0xFFFFDC00, s1;
	s9 =	simm.s32 $0x6598;
	[sflag:s6] =	ssyncadd.s32 $0xFFFFE000  }
0xd7: {  	[hbm4b:s7+s3] =	stream.linear.scatter [tilespmem:s9], [sflag:$0xB], $0x2000, $0x38;
	[tilespmem:$0x1A598] =	vst v63  }
0xd8: {  	_ =	swait.ge [sflag:s4], $0x2000  }
0xd9: {  	s8 =	simm.s32 $0x10598;
	s5 =	sshra.s32 s5, $0x2;
	[sflag:s4] =	ssyncset.done $0x0  }
0xda: {  	s6 =	simm.s32 $0x2;
	s7 =	sadd.s32 $0x3C0, s5;
	[sflag:s4] =	ssyncadd.s32 $0xFFFFE000  }
0xdb: {  	[tilespmem:s8], [sflag:$0x6] =	stream.indirect.gather [spmem:s2], $0x80, s7, s29, $0xb8;
	[tilespmem:$0x1A598] =	vst v63  }
0xdc: {  	_ =	swait.ge [sflag:s6], $0x2000  }
0xdd: {  	[sflag:s6] =	ssyncset.done $0x0  }
0xde: {  	s13 =	simm.s32 $0x8598;
	s7 =	sadd.s32 $0xFFFFE000, s1;
	[sflag:s6] =	ssyncadd.s32 $0xFFFFE000  }
0xdf: {  	[hbm4b:s7+s3] =	stream.linear.scatter [tilespmem:s13], [sflag:$0xC], $0x2000, $0x38;
	[tilespmem:$0x1A598] =	vst v63  }
0xe0: {  	_ =	swait.ge [sflag:s28], $0x2000  }
0xe1: {  	s10 =	simm.s32 $0x12598;
	[sflag:s28] =	ssyncset.done $0x0  }
0xe2: {  	s6 =	simm.s32 $0x3;
	s7 =	sadd.s32 $0x400, s5;
	[sflag:s28] =	ssyncadd.s32 $0xFFFFE000  }
0xe3: {  	[tilespmem:s10], [sflag:$0x7] =	stream.indirect.gather [spmem:s2], $0x80, s7, s29, $0xb8;
	[tilespmem:$0x1A598] =	vst v63  }
0xe4: {  	_ =	swait.ge [sflag:s6], $0x2000  }
0xe5: {  	[sflag:s6] =	ssyncset.done $0x0  }
0xe6: {  	s15 =	simm.s32 $0xA598;
	s7 =	sadd.s32 $0xFFFFE400, s1;
	[sflag:s6] =	ssyncadd.s32 $0xFFFFE000  }
0xe7: {  	[hbm4b:s7+s3] =	stream.linear.scatter [tilespmem:s15], [sflag:$0xD], $0x2000, $0x38;
	[tilespmem:$0x1A598] =	vst v63  }
0xe8: {  	_ =	swait.ge [sflag:s25], $0x2000  }
0xe9: {  	s12 =	simm.s32 $0x14598;
	[sflag:s25] =	ssyncset.done $0x0  }
0xea: {  	s6 =	simm.s32 $0x4;
	s7 =	sadd.s32 $0x440, s5;
	[sflag:s25] =	ssyncadd.s32 $0xFFFFE000  }
0xeb: {  	[tilespmem:s12], [sflag:$0x8] =	stream.indirect.gather [spmem:s2], $0x80, s7, s29, $0xb8;
	[tilespmem:$0x1A598] =	vst v63  }
0xec: {  	_ =	swait.ge [sflag:s6], $0x2000  }
0xed: {  	[sflag:s6] =	ssyncset.done $0x0  }
0xee: {  	s7 =	sadd.s32 $0xFFFFE800, s1;
	[sflag:s6] =	ssyncadd.s32 $0xFFFFE000;
	s6 =	simm.s32 $0xC598  }
0xef: {  	[hbm4b:s7+s3] =	stream.linear.scatter [tilespmem:s6], [sflag:$0xE], $0x2000, $0x38;
	[tilespmem:$0x1A598] =	vst v63  }
0xf0: {  	_ =	swait.ge [sflag:s30], $0x2000  }
0xf1: {  	[sflag:s30] =	ssyncset.done $0x0  }
0xf2: {  	s14 =	simm.s32 $0x16598;
	s7 =	sadd.s32 $0x480, s5;
	[sflag:s30] =	ssyncadd.s32 $0xFFFFE000  }
0xf3: {  	[tilespmem:s14], [sflag:$0x9] =	stream.indirect.gather [spmem:s2], $0x80, s7, s29, $0xb8;
	[tilespmem:$0x1A598] =	vst v63  }
0xf4: {  	s7 =	simm.s32 $0x5  }
0xf5: {  	_ =	swait.ge [sflag:s7], $0x2000  }
0xf6: {  	[sflag:s7] =	ssyncset.done $0x0  }
0xf7: {  	[sflag:s7] =	ssyncadd.s32 $0xFFFFE000;
	s7 =	sadd.s32 $0xFFFFEC00, s1  }
0xf8: {  	[hbm4b:s7+s3] =	stream.linear.scatter [tilespmem:s11], [sflag:$0xF], $0x2000, $0x38;
	[tilespmem:$0x1A598] =	vst v63  }
0xf9: {  	_ =	swait.ge [sflag:s31], $0x2000  }
0xfa: {  	[sflag:s31] =	ssyncset.done $0x0  }
0xfb: {  	s16 =	simm.s32 $0x18598;
	s7 =	sadd.s32 $0x4C0, s5;
	[sflag:s31] =	ssyncadd.s32 $0xFFFFE000  }
0xfc: {  	[tilespmem:s16], [sflag:$0xA] =	stream.indirect.gather [spmem:s2], $0x80, s7, s29, $0xb8;
	[tilespmem:$0x1A598] =	vst v63  }
0xfd: {  	s7 =	simm.s32 $0x6  }
0xfe: {  	_ =	swait.ge [sflag:s7], $0x2000  }
0xff: {  	[sflag:s7] =	ssyncset.done $0x0  }
0x100: {  	[sflag:s7] =	ssyncadd.s32 $0xFFFFE000;
	s7 =	sadd.s32 $0xFFFFF000, s1  }
0x101: {  	[hbm4b:s7+s3] =	stream.linear.scatter [tilespmem:s8], [sflag:$0x10], $0x2000, $0x38;
	[tilespmem:$0x1A598] =	vst v63  }
0x102: {  	_ =	swait.ge [sflag:s17], $0x2000  }
0x103: {  	[sflag:s17] =	ssyncset.done $0x0  }
0x104: {  	s11 =	simm.s32 $0x6598;
	s7 =	sadd.s32 $0x500, s5;
	[sflag:s17] =	ssyncadd.s32 $0xFFFFE000  }
0x105: {  	[tilespmem:s9], [sflag:$0x1] =	stream.indirect.gather [spmem:s2], $0x80, s7, s29, $0xb8;
	[tilespmem:$0x1A598] =	vst v63  }
0x106: {  	_ =	swait.ge [sflag:s18], $0x2000  }
0x107: {  	[sflag:s18] =	ssyncset.done $0x0  }
0x108: {  	s7 =	sadd.s32 $0xFFFFF400, s1;
	[sflag:s18] =	ssyncadd.s32 $0xFFFFE000  }
0x109: {  	[hbm4b:s7+s3] =	stream.linear.scatter [tilespmem:s10], [sflag:$0x11], $0x2000, $0x38;
	[tilespmem:$0x1A598] =	vst v63  }
0x10a: {  	_ =	swait.ge [sflag:s19], $0x2000  }
0x10b: {  	[sflag:s19] =	ssyncset.done $0x0  }
0x10c: {  	s9 =	simm.s32 $0x8598;
	s7 =	sadd.s32 $0x540, s5;
	[sflag:s19] =	ssyncadd.s32 $0xFFFFE000  }
0x10d: {  	[tilespmem:s13], [sflag:$0x2] =	stream.indirect.gather [spmem:s2], $0x80, s7, s29, $0xb8;
	[tilespmem:$0x1A598] =	vst v63  }
0x10e: {  	_ =	swait.ge [sflag:s20], $0x2000  }
0x10f: {  	[sflag:s20] =	ssyncset.done $0x0  }
0x110: {  	s7 =	sadd.s32 $0xFFFFF800, s1;
	[sflag:s20] =	ssyncadd.s32 $0xFFFFE000  }
0x111: {  	[hbm4b:s7+s3] =	stream.linear.scatter [tilespmem:s12], [sflag:$0x12], $0x2000, $0x38;
	[tilespmem:$0x1A598] =	vst v63  }
0x112: {  	_ =	swait.ge [sflag:s21], $0x2000  }
0x113: {  	[sflag:s21] =	ssyncset.done $0x0  }
0x114: {  	s13 =	simm.s32 $0xA598;
	s7 =	sadd.s32 $0x580, s5;
	[sflag:s21] =	ssyncadd.s32 $0xFFFFE000  }
0x115: {  	[tilespmem:s15], [sflag:$0x3] =	stream.indirect.gather [spmem:s2], $0x80, s7, s29, $0xb8;
	[tilespmem:$0x1A598] =	vst v63  }
0x116: {  	_ =	swait.ge [sflag:s22], $0x2000  }
0x117: {  	[sflag:s22] =	ssyncset.done $0x0  }
0x118: {  	s7 =	sadd.s32 $0xFFFFFC00, s1;
	[sflag:s22] =	ssyncadd.s32 $0xFFFFE000  }
0x119: {  	[hbm4b:s7+s3] =	stream.linear.scatter [tilespmem:s14], [sflag:$0x13], $0x2000, $0x38;
	[tilespmem:$0x1A598] =	vst v63  }
0x11a: {  	_ =	swait.ge [sflag:s23], $0x2000  }
0x11b: {  	[sflag:s23] =	ssyncset.done $0x0  }
0x11c: {  	s15 =	simm.s32 $0xC598;
	s7 =	sadd.s32 $0x5C0, s5;
	[sflag:s23] =	ssyncadd.s32 $0xFFFFE000  }
0x11d: {  	[tilespmem:s6], [sflag:$0x4] =	stream.indirect.gather [spmem:s2], $0x80, s7, s29, $0xb8;
	[tilespmem:$0x1A598] =	vst v63  }
0x11e: {  	_ =	swait.ge [sflag:s24], $0x2000  }
0x11f: {  	[sflag:s24] =	ssyncset.done $0x0  }
.Ltmp0:
0x120: {  	[sflag:s24] =	ssyncadd.s32 $0xFFFFE000;
	(pc) =	sbr.rel @p1 .LBB2_2-.Ltmp0, $4  }
0x121: {  	[hbm4b:s1+s3] =	stream.linear.scatter [tilespmem:s16], [sflag:$0x14], $0x2000, $0x38;
	[tilespmem:$0x1A598] =	vst v63  }
0x122: {  	_ =	swait.ge [sflag:s26], $0x2000  }
0x123: {  	[sflag:s26] =	ssyncset.done $0x0  }
0x124: {  	s5 =	sadd.s32 $0x600, s5;
	s1 =	sadd.s32 $0x2800, s1;
	[sflag:s26] =	ssyncadd.s32 $0xFFFFE000  }
0x125: {  	s1 =	simm.s32 $0xE598;
	s0 =	simm.s32 $0x1  }
0x126: {  	[tilespmem:s1], [sflag:$0x5] =	stream.indirect.gather [spmem:s2], $0x80, s5, s29, $0xb8;
	[tilespmem:$0x1A598] =	vst v63  }
0x127: {  	_ =	swait.ge [sflag:s0], $0x2000  }
0x128: {  	[sflag:s0] =	ssyncset.done $0x0  }
0x129: {  	s10 =	rddreg [dreg:$0xf];
	[sflag:s0] =	ssyncadd.s32 $0xFFFFE000  }
0x12a: {  	[hbm4b:s10+s3] =	stream.linear.scatter [tilespmem:s11], [sflag:$0xB], $0x2000, $0x38;
	[tilespmem:$0x1A598] =	vst v63  }
0x12b: {  	_ =	swait.ge [sflag:s4], $0x2000  }
0x12c: {  	s12 =	simm.s32 $0x2;
	[sflag:s4] =	ssyncset.done $0x0  }
0x12d: {  	s5 =	simm.s32 $0x10598;
	s11 =	simm.s32 $0x62C0;
	[sflag:s4] =	ssyncadd.s32 $0xFFFFE000  }
0x12e: {  	[tilespmem:s5], [sflag:$0x6] =	stream.indirect.gather [spmem:s2], $0x80, s11, s29, $0xb8;
	[tilespmem:$0x1A598] =	vst v63  }
0x12f: {  	_ =	swait.ge [sflag:s12], $0x2000  }
0x130: {  	[sflag:s12] =	ssyncset.done $0x0  }
0x131: {  	s14 =	rddreg [dreg:$0x10];
	[sflag:s12] =	ssyncadd.s32 $0xFFFFE000  }
0x132: {  	[hbm4b:s14+s3] =	stream.linear.scatter [tilespmem:s9], [sflag:$0xC], $0x2000, $0x38;
	[tilespmem:$0x1A598] =	vst v63  }
0x133: {  	_ =	swait.ge [sflag:s28], $0x2000  }
0x134: {  	s6 =	simm.s32 $0x12598;
	[sflag:s28] =	ssyncset.done $0x0  }
0x135: {  	s16 =	simm.s32 $0x6300;
	s7 =	simm.s32 $0x3;
	[sflag:s28] =	ssyncadd.s32 $0xFFFFE000  }
0x136: {  	[tilespmem:s6], [sflag:$0x7] =	stream.indirect.gather [spmem:s2], $0x80, s16, s29, $0xb8;
	[tilespmem:$0x1A598] =	vst v63  }
0x137: {  	_ =	swait.ge [sflag:s7], $0x2000  }
0x138: {  	[sflag:s7] =	ssyncset.done $0x0  }
0x139: {  	s8 =	rddreg [dreg:$0x11];
	[sflag:s7] =	ssyncadd.s32 $0xFFFFE000  }
0x13a: {  	[hbm4b:s8+s3] =	stream.linear.scatter [tilespmem:s13], [sflag:$0xD], $0x2000, $0x38;
	[tilespmem:$0x1A598] =	vst v63  }
0x13b: {  	_ =	swait.ge [sflag:s25], $0x2000  }
0x13c: {  	s10 =	simm.s32 $0x4;
	[sflag:s25] =	ssyncset.done $0x0  }
0x13d: {  	s9 =	simm.s32 $0x6340;
	s7 =	simm.s32 $0x14598;
	[sflag:s25] =	ssyncadd.s32 $0xFFFFE000  }
0x13e: {  	[tilespmem:s7], [sflag:$0x8] =	stream.indirect.gather [spmem:s2], $0x80, s9, s29, $0xb8;
	[tilespmem:$0x1A598] =	vst v63  }
0x13f: {  	_ =	swait.ge [sflag:s10], $0x2000  }
0x140: {  	[sflag:s10] =	ssyncset.done $0x0  }
0x141: {  	s11 =	rddreg [dreg:$0x12];
	[sflag:s10] =	ssyncadd.s32 $0xFFFFE000  }
0x142: {  	[hbm4b:s11+s3] =	stream.linear.scatter [tilespmem:s15], [sflag:$0xE], $0x2000, $0x38;
	[tilespmem:$0x1A598] =	vst v63  }
0x143: {  	_ =	swait.ge [sflag:s30], $0x2000  }
0x144: {  	s12 =	simm.s32 $0x6380;
	[sflag:s30] =	ssyncset.done $0x0  }
0x145: {  	s8 =	simm.s32 $0x16598;
	s13 =	simm.s32 $0x5;
	[sflag:s30] =	ssyncadd.s32 $0xFFFFE000  }
0x146: {  	[tilespmem:s8], [sflag:$0x9] =	stream.indirect.gather [spmem:s2], $0x80, s12, s29, $0xb8;
	[tilespmem:$0x1A598] =	vst v63  }
0x147: {  	_ =	swait.ge [sflag:s13], $0x2000  }
0x148: {  	[sflag:s13] =	ssyncset.done $0x0  }
0x149: {  	s14 =	rddreg [dreg:$0x13];
	[sflag:s13] =	ssyncadd.s32 $0xFFFFE000  }
0x14a: {  	[hbm4b:s14+s3] =	stream.linear.scatter [tilespmem:s1], [sflag:$0xF], $0x2000, $0x38;
	[tilespmem:$0x1A598] =	vst v63  }
0x14b: {  	_ =	swait.ge [sflag:s31], $0x2000  }
0x14c: {  	s16 =	simm.s32 $0x63C0;
	[sflag:s31] =	ssyncset.done $0x0  }
0x14d: {  	s9 =	simm.s32 $0x6;
	s15 =	simm.s32 $0x18598;
	[sflag:s31] =	ssyncadd.s32 $0xFFFFE000  }
0x14e: {  	[tilespmem:s15], [sflag:$0xA] =	stream.indirect.gather [spmem:s2], $0x80, s16, s29, $0xb8;
	[tilespmem:$0x1A598] =	vst v63  }
0x14f: {  	_ =	swait.ge [sflag:s9], $0x2000  }
0x150: {  	[sflag:s9] =	ssyncset.done $0x0  }
0x151: {  	s10 =	rddreg [dreg:$0x14];
	[sflag:s9] =	ssyncadd.s32 $0xFFFFE000  }
0x152: {  	[hbm4b:s10+s3] =	stream.linear.scatter [tilespmem:s5], [sflag:$0x10], $0x2000, $0x38;
	[tilespmem:$0x1A598] =	vst v63  }
0x153: {  	_ =	swait.ge [sflag:s18], $0x2000  }
0x154: {  	[sflag:s18] =	ssyncset.done $0x0  }
0x155: {  	s11 =	rddreg [dreg:$0x15];
	[sflag:s18] =	ssyncadd.s32 $0xFFFFE000  }
0x156: {  	[hbm4b:s11+s3] =	stream.linear.scatter [tilespmem:s6], [sflag:$0x11], $0x2000, $0x38;
	[tilespmem:$0x1A598] =	vst v63  }
0x157: {  	_ =	swait.ge [sflag:s20], $0x2000  }
0x158: {  	[sflag:s20] =	ssyncset.done $0x0  }
0x159: {  	s12 =	rddreg [dreg:$0x16];
	[sflag:s20] =	ssyncadd.s32 $0xFFFFE000  }
0x15a: {  	[hbm4b:s12+s3] =	stream.linear.scatter [tilespmem:s7], [sflag:$0x12], $0x2000, $0x38;
	[tilespmem:$0x1A598] =	vst v63  }
0x15b: {  	_ =	swait.ge [sflag:s22], $0x2000  }
0x15c: {  	[sflag:s22] =	ssyncset.done $0x0  }
0x15d: {  	s13 =	rddreg [dreg:$0x17];
	[sflag:s22] =	ssyncadd.s32 $0xFFFFE000  }
0x15e: {  	[hbm4b:s13+s3] =	stream.linear.scatter [tilespmem:s8], [sflag:$0x13], $0x2000, $0x38;
	[tilespmem:$0x1A598] =	vst v63  }
0x15f: {  	_ =	swait.ge [sflag:s24], $0x2000  }
0x160: {  	[sflag:s24] =	ssyncset.done $0x0  }
0x161: {  	s14 =	rddreg [dreg:$0x18];
	[sflag:s24] =	ssyncadd.s32 $0xFFFFE000  }
0x162: {  	[hbm4b:s14+s3] =	stream.linear.scatter [tilespmem:s15], [sflag:$0x14], $0x2000, $0x38;
	[tilespmem:$0x1A598] =	vst v63  }
0x163: {  	_ =	swait.ge [sflag:s17], $0x2000  }
0x164: {  	[sflag:s17] =	ssyncset.done $0x0  }
0x165: {  	[sflag:s17] =	ssyncadd.s32 $0xFFFFE000  }
0x166: {  	_ =	swait.ge [sflag:s19], $0x2000  }
0x167: {  	[sflag:s19] =	ssyncset.done $0x0  }
0x168: {  	[sflag:s19] =	ssyncadd.s32 $0xFFFFE000  }
0x169: {  	_ =	swait.ge [sflag:s21], $0x2000  }
0x16a: {  	[sflag:s21] =	ssyncset.done $0x0  }
0x16b: {  	[sflag:s21] =	ssyncadd.s32 $0xFFFFE000  }
0x16c: {  	_ =	swait.ge [sflag:s23], $0x2000  }
0x16d: {  	[sflag:s23] =	ssyncset.done $0x0  }
0x16e: {  	[sflag:s23] =	ssyncadd.s32 $0xFFFFE000  }
0x16f: {  	_ =	swait.ge [sflag:s26], $0x2000  }
0x170: {  	[sflag:s26] =	ssyncset.done $0x0  }
0x171: {  	[sflag:s26] =	ssyncadd.s32 $0xFFFFE000  }
0x172: {  	_ =	swait.ge [sflag:s4], $0x2000  }
0x173: {  	[sflag:s4] =	ssyncset.done $0x0  }
0x174: {  	[sflag:s4] =	ssyncadd.s32 $0xFFFFE000  }
0x175: {  	_ =	swait.ge [sflag:s28], $0x2000  }
0x176: {  	[sflag:s28] =	ssyncset.done $0x0  }
0x177: {  	[sflag:s28] =	ssyncadd.s32 $0xFFFFE000  }
0x178: {  	_ =	swait.ge [sflag:s25], $0x2000  }
0x179: {  	[sflag:s25] =	ssyncset.done $0x0  }
0x17a: {  	[sflag:s25] =	ssyncadd.s32 $0xFFFFE000  }
0x17b: {  	_ =	swait.ge [sflag:s30], $0x2000  }
0x17c: {  	[sflag:s30] =	ssyncset.done $0x0  }
0x17d: {  	[sflag:s30] =	ssyncadd.s32 $0xFFFFE000  }
0x17e: {  	_ =	swait.ge [sflag:s31], $0x2000  }
0x17f: {  	s15 =	rddreg [dreg:$0x1c]  }
0x180: {  	s16 =	rddreg [dreg:$0x19];
	s1 =	sadd.s32 $0x1, s15  }
0x181: {  	p1 =	sne.s32 s1, s16  }
.Ltmp1:
0x182: {  	_ = 	snop;
	(pc) =	sbr.rel @p1 .LBB2_1-.Ltmp1, $3  }
0x183: {  	_ =	sdelay $0x1  }
0x184: {  	[sflag:s31] =	ssyncset.done $0x0  }
0x185: {  	[sflag:s31] =	ssyncadd.s32 $0xFFFFE000  }
0x186: {  	_ =	sfence.sel $0x180000  }
0x187: {  	[bflag:$0x0] =	sbarrier.arrive $0xFFFF  }
0x188: {  	_ =	strace $0x90000047  }
0x189: {  	[bflag:$0x2] =	sbarrier.arrive $0xFFFF  }
0x18a: {  	s0 =	rddreg [dreg:$0x4]  }
0x18b: {  	s0 =	sadd.s32 @!p0 $0x100000, s0  }
0x18c: {  	[sflag:s0] =	ssyncadd.tile.s32 @!p0 $0x1;
	_ =	shalt  }
.Lfunc_end2:
_tile_overlayer_lowered:
.L_overlay_start_2:
0x18d: {  	(tag) =	ssettag $0x2  }
0x18e: {  	s0 =	rddreg [dreg:$0x0];
	s2 =	stileid.u32  }
0x18f: {  	s1 =	rddreg [dreg:$0x1];
	p0 =	sne.s32 s2, $0x0  }
0x190: {  	s3 =	rddreg [dreg:$0x2];
	[bflag:$0x3] =	sbarrier.arrive $0xFFFF;
	s2 =	simm.s32 @!p0 $0x1C15  }
0x191: {  	[timem:s3], [sflag:s2] =	dma.local @!p0 [hbm:s0], s1  }
0x192: {  	s0 =	simm.s32 @!p0 $0x15  }
0x193: {  	_ =	swait.ge @!p0 [sflag:s0], s1  }
0x194: {  	s1 =	ssub.s32 @!p0 $0x0, s1;
	[sflag:s0] =	ssyncset.done @!p0 $0x0  }
0x195: {  	[sflag:s0] =	ssyncadd.s32 @!p0 s1  }
0x196: {  	[bflag:$0x3] =	sbarrier.arrive $0xFFFF  }
0x197: {  	_ =	shalt  }

</sc_bundles>
